<compile_context>
chip_gen: v7x
topology: tpu7x:2x2x1
jax: 0.10.2.dev20260603
libtpu: 0.0.44.dev20260713+nightly
codegen_flags: <defaults>
</compile_context>

<pallas_src>
import functools

import jax
import jax.numpy as jnp
from jax import lax
from jax.experimental import pallas as pl
from jax.experimental.pallas import tpu as pltpu
from jax.experimental.pallas import tpu_sc as plsc

E = 8
TOP_K = 2
D_MODEL = 768
D_FF = 384
T = 2048
P = T * TOP_K
BLK_T = 256
BLK = 256
NBLK = P // BLK + E - 1
NPAD = NBLK * BLK
NW = 32
PPW = P // NW
TPW = T // NW



def _router_block(x_ref, gate_ref, ti_ref, tw_ref):
    xb = x_ref[...]
    logits = jax.lax.dot_general(
        xb, gate_ref[...], (((1,), (1,)), ((), ())),
        preferred_element_type=jnp.float32)
    m = jnp.max(logits, axis=1, keepdims=True)
    ex = jnp.exp(logits - m)
    s = ex / jnp.sum(ex, axis=1, keepdims=True)
    idx = jax.lax.broadcasted_iota(jnp.int32, (BLK_T, E), 1)
    v1 = jnp.max(s, axis=1, keepdims=True)
    i1 = jnp.min(jnp.where(s == v1, idx, E), axis=1, keepdims=True)
    s2 = jnp.where(idx == i1, -jnp.inf, s)
    v2 = jnp.max(s2, axis=1, keepdims=True)
    i2 = jnp.min(jnp.where(s2 == v2, idx, E), axis=1, keepdims=True)
    denom = v1 + v2
    ti_ref[...] = jnp.where(idx == 0, i1, 0) + jnp.where(idx == 1, i2, 0)
    tw_ref[...] = (jnp.where(idx == 0, v1 / denom, 0.0)
                   + jnp.where(idx == 1, v2 / denom, 0.0))


def _router(x, gate_w):
    return pl.pallas_call(
        _router_block,
        grid=(T // BLK_T,),
        in_specs=[
            pl.BlockSpec((BLK_T, D_MODEL), lambda i: (i, 0)),
            pl.BlockSpec((E, D_MODEL), lambda i: (0, 0)),
        ],
        out_specs=[
            pl.BlockSpec((BLK_T, E), lambda i: (i, 0)),
            pl.BlockSpec((BLK_T, E), lambda i: (i, 0)),
        ],
        out_shape=[
            jax.ShapeDtypeStruct((T, E), jnp.int32),
            jax.ShapeDtypeStruct((T, E), jnp.float32),
        ],
    )(x, gate_w)



def _plan_block(eids_ref, slots_ref, be_ref):
    eids = eids_ref[...]
    rr = jax.lax.broadcasted_iota(jnp.int32, (128, 128), 0)
    cc = jax.lax.broadcasted_iota(jnp.int32, (128, 128), 1)
    upper = (rr <= cc).astype(jnp.float32)
    r32 = jax.lax.broadcasted_iota(jnp.int32, (32, 32), 0)
    c32 = jax.lax.broadcasted_iota(jnp.int32, (32, 32), 1)
    lstrict = (c32 < r32).astype(jnp.float32)

    ranks = []
    counts = []
    for e in range(E):
        me = (eids == e).astype(jnp.float32)
        s1 = jax.lax.dot_general(
            me, upper, (((1,), (0,)), ((), ())),
            preferred_element_type=jnp.float32)
        rowtot = jnp.broadcast_to(s1[:, 127:128], (32, 128))
        carry = jax.lax.dot_general(
            lstrict, rowtot, (((1,), (0,)), ((), ())),
            preferred_element_type=jnp.float32)
        ranks.append(carry + s1 - me)
        counts.append(jnp.sum(me))

    seg_base = []
    cumblk = []
    base = jnp.int32(0)
    for e in range(E):
        seg_base.append(base)
        nblk = (counts[e].astype(jnp.int32) + (BLK - 1)) // BLK
        base = base + nblk * BLK
        cumblk.append(base // BLK)

    slots = jnp.zeros((32, 128), jnp.float32)
    for e in range(E):
        me = (eids == e).astype(jnp.float32)
        slots = slots + me * (ranks[e] + seg_base[e].astype(jnp.float32))
    slots_ref[...] = slots.astype(jnp.int32)

    bidx = jax.lax.broadcasted_iota(jnp.int32, (8, 128), 1)
    be = jnp.zeros((8, 128), jnp.int32)
    for e in range(E):
        be = be + (bidx >= cumblk[e]).astype(jnp.int32)
    be_ref[...] = be


def _plan(eids):
    return pl.pallas_call(
        _plan_block,
        grid=(1,),
        in_specs=[pl.BlockSpec((32, 128), lambda i: (0, 0))],
        out_specs=[
            pl.BlockSpec((32, 128), lambda i: (0, 0)),
            pl.BlockSpec((8, 128), lambda i: (0, 0)),
        ],
        out_shape=[
            jax.ShapeDtypeStruct((32, 128), jnp.int32),
            jax.ShapeDtypeStruct((8, 128), jnp.int32),
        ],
    )(eids)



_MESH = plsc.VectorSubcoreMesh(core_axis_name="c", subcore_axis_name="s")


@functools.partial(
    pl.kernel,
    out_type=[
        jax.ShapeDtypeStruct((NPAD, D_MODEL), jnp.float32),
        jax.ShapeDtypeStruct((NPAD,), jnp.float32),
    ],
    mesh=_MESH,
    scratch_types=[
        pltpu.VMEM((PPW,), jnp.int32),
        pltpu.VMEM((PPW,), jnp.int32),
        pltpu.VMEM((PPW,), jnp.float32),
        pltpu.VMEM((PPW, D_MODEL), jnp.float32),
        pltpu.SemaphoreType.DMA,
        pltpu.SemaphoreType.DMA,
        pltpu.SemaphoreType.DMA,
    ],
)
def _sc_dispatch(x_hbm, slots_hbm, toks_hbm, w_hbm, xs_hbm, sw_hbm,
                 slots_v, toks_v, w_v, rows_v, sem1, sem2, sem3):
    wid = lax.axis_index("s") * 2 + lax.axis_index("c")
    base = wid * PPW
    pltpu.sync_copy(slots_hbm.at[pl.ds(base, PPW)], slots_v)
    pltpu.sync_copy(toks_hbm.at[pl.ds(base, PPW)], toks_v)
    pltpu.sync_copy(w_hbm.at[pl.ds(base, PPW)], w_v)
    gat = pltpu.async_copy(x_hbm.at[toks_v], rows_v, sem1)
    gat.wait()
    sc1 = pltpu.async_copy(rows_v, xs_hbm.at[slots_v], sem2)
    sc2 = pltpu.async_copy(w_v, sw_hbm.at[slots_v], sem3)
    sc1.wait()
    sc2.wait()



def _ffn_block(be_ref, xs_ref, sw_ref, wg_ref, wu_ref, wd_ref, ys_ref):
    b = pl.program_id(0)

    @pl.when(be_ref[b] < E)
    def _():
        xb16 = xs_ref[...].astype(jnp.bfloat16)
        g = jax.lax.dot_general(
            xb16, wg_ref[0].astype(jnp.bfloat16), (((1,), (1,)), ((), ())),
            preferred_element_type=jnp.float32)
        u = jax.lax.dot_general(
            xb16, wu_ref[0].astype(jnp.bfloat16), (((1,), (1,)), ((), ())),
            preferred_element_type=jnp.float32)
        h = (g / (1.0 + jnp.exp(-g))) * u
        o = jax.lax.dot_general(
            h.astype(jnp.bfloat16), wd_ref[0].astype(jnp.bfloat16),
            (((1,), (1,)), ((), ())),
            preferred_element_type=jnp.float32)
        sw = sw_ref[0, 0, :].reshape(BLK, 1)
        ys_ref[...] = o * sw


def _ffn(be, xs, sw3, W_gate, W_up, W_down):
    def wmap(b, be_ref):
        return (jnp.minimum(be_ref[b], E - 1), 0, 0)

    grid_spec = pltpu.PrefetchScalarGridSpec(
        num_scalar_prefetch=1,
        grid=(NBLK,),
        in_specs=[
            pl.BlockSpec((BLK, D_MODEL), lambda b, be_ref: (b, 0)),
            pl.BlockSpec((1, 1, BLK), lambda b, be_ref: (b, 0, 0)),
            pl.BlockSpec((1, D_FF, D_MODEL), wmap),
            pl.BlockSpec((1, D_FF, D_MODEL), wmap),
            pl.BlockSpec((1, D_MODEL, D_FF), wmap),
        ],
        out_specs=pl.BlockSpec((BLK, D_MODEL), lambda b, be_ref: (b, 0)),
    )
    return pl.pallas_call(
        _ffn_block,
        grid_spec=grid_spec,
        out_shape=jax.ShapeDtypeStruct((NPAD, D_MODEL), jnp.float32),
    )(be, xs, sw3, W_gate, W_up, W_down)



@functools.partial(
    pl.kernel,
    out_type=jax.ShapeDtypeStruct((T, D_MODEL), jnp.float32),
    mesh=_MESH,
    scratch_types=[
        pltpu.VMEM((64,), jnp.int32),
        pltpu.VMEM((64, D_MODEL), jnp.float32),
        pltpu.VMEM((32, D_MODEL), jnp.float32),
        pltpu.SemaphoreType.DMA,
    ],
)
def _sc_combine(ys_hbm, slots_hbm, y_hbm, ip_v, rows_v, out_v, sem):
    wid = lax.axis_index("s") * 2 + lax.axis_index("c")
    for c in range(2):
        tbase = wid * TPW + c * 32
        pltpu.sync_copy(slots_hbm.at[pl.ds(2 * tbase, 64)], ip_v)
        pltpu.async_copy(ys_hbm.at[ip_v], rows_v, sem).wait()

        def tok_body(i, carry):
            for l in range(D_MODEL // 16):
                a = rows_v[2 * i, pl.ds(16 * l, 16)]
                b = rows_v[2 * i + 1, pl.ds(16 * l, 16)]
                out_v[i, pl.ds(16 * l, 16)] = a + b
            return carry

        lax.fori_loop(0, 32, tok_body, 0)
        pltpu.sync_copy(out_v, y_hbm.at[pl.ds(tbase, 32)])



@jax.jit
def _moe(x, gate_w, W_gate, W_up, W_down):
    tidx8, tw8 = _router(x, gate_w)
    eids = tidx8[:, :TOP_K].reshape(32, 128)
    tw_flat = tw8[:, :TOP_K].reshape(P)
    slots32, be_grid = _plan(eids)
    slots_flat = slots32.reshape(P)
    be = be_grid[0, :NBLK]
    toks = jax.lax.iota(jnp.int32, P) // TOP_K
    xs, sw = _sc_dispatch(x, slots_flat, toks, tw_flat)
    sw3 = sw.reshape(NBLK, 1, BLK)
    ys = _ffn(be, xs, sw3, W_gate, W_up, W_down)
    return ys[:T]


def kernel(hidden_states, gate_w, W_gate, W_up, W_down):
    orig_shape = hidden_states.shape
    x = hidden_states.reshape(-1, orig_shape[-1])
    y = _moe(x, gate_w, W_gate, W_up, W_down)
    return y.reshape(orig_shape)

# --- scband reference (transcript-rebuilt; emitter-appended) ---
"""Pipeline reference for scband-prunable-deepseek-mo-ewrapper-48653389529581 (READ-ONLY COPY).

The authoritative reference and input builder live on the scoring server;
editing this copy changes nothing except your own understanding.
"""

import jax, jax.numpy as jnp
import numpy as np

E = 8
TOP_K = 2
D_MODEL = 768
D_FF = 384
B = 1
S = 2048


def setup_inputs(seed: int = 0) -> dict:
    key = jax.random.key(seed)
    ks = jax.random.split(key, 5)
    hidden_states = jax.random.normal(ks[0], (B, S, D_MODEL), dtype=jnp.float32)
    gate_w = jax.random.normal(ks[1], (E, D_MODEL), dtype=jnp.float32) * 0.02
    W_gate = jax.random.normal(ks[2], (E, D_FF, D_MODEL), dtype=jnp.float32) * 0.02
    W_up = jax.random.normal(ks[3], (E, D_FF, D_MODEL), dtype=jnp.float32) * 0.02
    W_down = jax.random.normal(ks[4], (E, D_MODEL, D_FF), dtype=jnp.float32) * 0.02
    return {"hidden_states": hidden_states, "gate_w": gate_w, "W_gate": W_gate, "W_up": W_up, "W_down": W_down}


def reference(hidden_states, gate_w, W_gate, W_up, W_down):
    # Faithful eval-path of PrunableDeepseekMoEWrapper.forward (no experts dropped,
    # no shared experts). Router computed under torch.no_grad -> stop_gradient.
    orig_shape = hidden_states.shape
    x = hidden_states.reshape(-1, orig_shape[-1])  # [T, d_model]
    T = x.shape[0]
    # gate: router_logits = F.linear(x, gate.weight)
    router_logits = x @ gate_w.T  # [T, E]
    scores = jax.nn.softmax(router_logits, axis=-1)
    topk_weight, topk_idx = jax.lax.top_k(scores, TOP_K)  # [T, k]
    topk_weight = topk_weight / jnp.sum(topk_weight, axis=-1, keepdims=True)
    topk_weight = jax.lax.stop_gradient(topk_weight)
    topk_idx = jax.lax.stop_gradient(topk_idx)
    # scatter routing weights into a dense [T, E] combine matrix (moe_infer equivalent)
    w_full = jnp.zeros((T, E), dtype=x.dtype).at[jnp.arange(T)[:, None], topk_idx].add(topk_weight)
    # per-expert DeepseekMLP: down(silu(gate(x)) * up(x)), computed densely and combined
    g = jnp.einsum('td,efd->tef', x, W_gate)  # [T, E, d_ff]
    u = jnp.einsum('td,efd->tef', x, W_up)    # [T, E, d_ff]
    h = jax.nn.silu(g) * u
    out_e = jnp.einsum('tef,edf->ted', h, W_down)  # [T, E, d_model]
    y = jnp.einsum('ted,te->td', out_e, w_full)    # [T, d_model]
    return y.reshape(orig_shape)

if __name__ == "__main__":
    import jax
    _d = setup_inputs()
    print(jax.jit(kernel)(*tuple(_d.values())))

</pallas_src>

<mosaic_0001>
#map = affine_map<(d0, d1) -> (0, 0)>
#map1 = affine_map<(d0, d1) -> (0)>
module attributes {stable_mosaic.version = 14 : i64} {
  func.func @_sc_dispatch(%arg0: i32, %arg1: i32, %arg2: memref<2048x768xf32, #tpu.memory_space<hbm>>, %arg3: memref<4096xi32, #tpu.memory_space<hbm>>, %arg4: memref<4096xi32, #tpu.memory_space<hbm>>, %arg5: memref<4096xf32, #tpu.memory_space<hbm>>, %arg6: memref<5888x768xf32, #tpu.memory_space<hbm>>, %arg7: memref<5888xf32, #tpu.memory_space<hbm>>, %arg8: memref<128xi32, #tpu.memory_space<vmem>>, %arg9: memref<128xi32, #tpu.memory_space<vmem>>, %arg10: memref<128xf32, #tpu.memory_space<vmem>>, %arg11: memref<128x768xf32, #tpu.memory_space<vmem>>, %arg12: memref<!tpu.dma_semaphore, #tpu.memory_space<semaphore_mem>>, %arg13: memref<!tpu.dma_semaphore, #tpu.memory_space<semaphore_mem>>, %arg14: memref<!tpu.dma_semaphore, #tpu.memory_space<semaphore_mem>>) attributes {dimension_semantics = [#tpu.dimension_semantics<core_parallel>, #tpu.dimension_semantics<subcore_parallel>], iteration_bounds = array<i64: 2, 16>, scalar_prefetch = 0 : i64, scratch_operands = 7 : i64, tpu.core_type = #tpu.core_type<sc_vector_subcore>, window_params = [{transform_indices = #map}, {transform_indices = #map1}, {transform_indices = #map1}, {transform_indices = #map1}, {transform_indices = #map}, {transform_indices = #map1}]} {
    %mul3A = arith.constant 2 : i32
    %mul3A_0 = arith.muli %arg1, %mul3A : i32
    %add3A = arith.addi %mul3A_0, %arg0 : i32
    %mul3A_1 = arith.constant 128 : i32
    %mul3A_2 = arith.muli %add3A, %mul3A_1 : i32
    "tpu.region"() ({
      %run_scoped3A = tpu.sem_alloc : memref<!tpu.dma_semaphore, #tpu.memory_space<semaphore_mem>>
      %dma_start3A_17 = tpu.memref_slice %arg3[%mul3A_2] : memref<4096xi32, #tpu.memory_space<hbm>> -> memref<128xi32, #tpu.memory_space<hbm>>
      %dma_start3A_18 = tpu.memref_slice %arg3[%mul3A_2] : memref<4096xi32, #tpu.memory_space<hbm>> -> memref<128xi32, #tpu.memory_space<hbm>>
      tpu.enqueue_dma source(%dma_start3A_18 : memref<128xi32, #tpu.memory_space<hbm>>) target(%arg8 : memref<128xi32, #tpu.memory_space<vmem>>) target_semaphore(%run_scoped3A : memref<!tpu.dma_semaphore, #tpu.memory_space<semaphore_mem>>)
      %dma_wait3A_19 = tpu.memref_slice %arg3[%mul3A_2] : memref<4096xi32, #tpu.memory_space<hbm>> -> memref<128xi32, #tpu.memory_space<hbm>>
      %dma_wait3A_20 = tpu.memref_slice %arg3[%mul3A_2] : memref<4096xi32, #tpu.memory_space<hbm>> -> memref<128xi32, #tpu.memory_space<hbm>>
      tpu.wait_dma2 semaphore(%run_scoped3A : memref<!tpu.dma_semaphore, #tpu.memory_space<semaphore_mem>>) src(%dma_wait3A_20 : memref<128xi32, #tpu.memory_space<hbm>>) dst(%arg8 : memref<128xi32, #tpu.memory_space<vmem>>)
      tpu.yield
    }) : () -> ()
    "tpu.region"() ({
      %run_scoped3A = tpu.sem_alloc : memref<!tpu.dma_semaphore, #tpu.memory_space<semaphore_mem>>
      %dma_start3A_17 = tpu.memref_slice %arg4[%mul3A_2] : memref<4096xi32, #tpu.memory_space<hbm>> -> memref<128xi32, #tpu.memory_space<hbm>>
      %dma_start3A_18 = tpu.memref_slice %arg4[%mul3A_2] : memref<4096xi32, #tpu.memory_space<hbm>> -> memref<128xi32, #tpu.memory_space<hbm>>
      tpu.enqueue_dma source(%dma_start3A_18 : memref<128xi32, #tpu.memory_space<hbm>>) target(%arg9 : memref<128xi32, #tpu.memory_space<vmem>>) target_semaphore(%run_scoped3A : memref<!tpu.dma_semaphore, #tpu.memory_space<semaphore_mem>>)
      %dma_wait3A_19 = tpu.memref_slice %arg4[%mul3A_2] : memref<4096xi32, #tpu.memory_space<hbm>> -> memref<128xi32, #tpu.memory_space<hbm>>
      %dma_wait3A_20 = tpu.memref_slice %arg4[%mul3A_2] : memref<4096xi32, #tpu.memory_space<hbm>> -> memref<128xi32, #tpu.memory_space<hbm>>
      tpu.wait_dma2 semaphore(%run_scoped3A : memref<!tpu.dma_semaphore, #tpu.memory_space<semaphore_mem>>) src(%dma_wait3A_20 : memref<128xi32, #tpu.memory_space<hbm>>) dst(%arg9 : memref<128xi32, #tpu.memory_space<vmem>>)
      tpu.yield
    }) : () -> ()
    "tpu.region"() ({
      %run_scoped3A = tpu.sem_alloc : memref<!tpu.dma_semaphore, #tpu.memory_space<semaphore_mem>>
      %dma_start3A_17 = tpu.memref_slice %arg5[%mul3A_2] : memref<4096xf32, #tpu.memory_space<hbm>> -> memref<128xf32, #tpu.memory_space<hbm>>
      %dma_start3A_18 = tpu.memref_slice %arg5[%mul3A_2] : memref<4096xf32, #tpu.memory_space<hbm>> -> memref<128xf32, #tpu.memory_space<hbm>>
      tpu.enqueue_dma source(%dma_start3A_18 : memref<128xf32, #tpu.memory_space<hbm>>) target(%arg10 : memref<128xf32, #tpu.memory_space<vmem>>) target_semaphore(%run_scoped3A : memref<!tpu.dma_semaphore, #tpu.memory_space<semaphore_mem>>)
      %dma_wait3A_19 = tpu.memref_slice %arg5[%mul3A_2] : memref<4096xf32, #tpu.memory_space<hbm>> -> memref<128xf32, #tpu.memory_space<hbm>>
      %dma_wait3A_20 = tpu.memref_slice %arg5[%mul3A_2] : memref<4096xf32, #tpu.memory_space<hbm>> -> memref<128xf32, #tpu.memory_space<hbm>>
      tpu.wait_dma2 semaphore(%run_scoped3A : memref<!tpu.dma_semaphore, #tpu.memory_space<semaphore_mem>>) src(%dma_wait3A_20 : memref<128xf32, #tpu.memory_space<hbm>>) dst(%arg10 : memref<128xf32, #tpu.memory_space<vmem>>)
      tpu.yield
    }) : () -> ()
    %dma_start3A = arith.constant 0 : i32
    %dma_start3A_3 = arith.constant 0 : i32
    %dma_start3A_4 = tpu.memref_slice %arg2[%dma_start3A, %dma_start3A_3] : memref<2048x768xf32, #tpu.memory_space<hbm>> -> memref<2048x768xf32, #tpu.memory_space<hbm>>
    tpu.enqueue_indirect_dma source(%dma_start3A_4 : memref<2048x768xf32, #tpu.memory_space<hbm>>) target(%arg11 : memref<128x768xf32, #tpu.memory_space<vmem>>) offsets(%arg9 : memref<128xi32, #tpu.memory_space<vmem>>) semaphore(%arg12 : memref<!tpu.dma_semaphore, #tpu.memory_space<semaphore_mem>>)
    %dma_wait3A = arith.constant 0 : i32
    %dma_wait3A_5 = arith.constant 0 : i32
    %dma_wait3A_6 = tpu.memref_slice %arg2[%dma_wait3A, %dma_wait3A_5] : memref<2048x768xf32, #tpu.memory_space<hbm>> -> memref<2048x768xf32, #tpu.memory_space<hbm>>
    tpu.wait_indirect_dma semaphore(%arg12 : memref<!tpu.dma_semaphore, #tpu.memory_space<semaphore_mem>>) src(%dma_wait3A_6 : memref<2048x768xf32, #tpu.memory_space<hbm>>) dst(%arg11 : memref<128x768xf32, #tpu.memory_space<vmem>>)
    %dma_start3A_7 = arith.constant 0 : i32
    %dma_start3A_8 = arith.constant 0 : i32
    %dma_start3A_9 = tpu.memref_slice %arg6[%dma_start3A_7, %dma_start3A_8] : memref<5888x768xf32, #tpu.memory_space<hbm>> -> memref<5888x768xf32, #tpu.memory_space<hbm>>
    tpu.enqueue_indirect_dma source(%arg11 : memref<128x768xf32, #tpu.memory_space<vmem>>) target(%dma_start3A_9 : memref<5888x768xf32, #tpu.memory_space<hbm>>) offsets(%arg8 : memref<128xi32, #tpu.memory_space<vmem>>) semaphore(%arg13 : memref<!tpu.dma_semaphore, #tpu.memory_space<semaphore_mem>>)
    %dma_start3A_10 = arith.constant 0 : i32
    %dma_start3A_11 = tpu.memref_slice %arg7[%dma_start3A_10] : memref<5888xf32, #tpu.memory_space<hbm>> -> memref<5888xf32, #tpu.memory_space<hbm>>
    tpu.enqueue_indirect_dma source(%arg10 : memref<128xf32, #tpu.memory_space<vmem>>) target(%dma_start3A_11 : memref<5888xf32, #tpu.memory_space<hbm>>) offsets(%arg8 : memref<128xi32, #tpu.memory_space<vmem>>) semaphore(%arg14 : memref<!tpu.dma_semaphore, #tpu.memory_space<semaphore_mem>>)
    %dma_wait3A_12 = arith.constant 0 : i32
    %dma_wait3A_13 = arith.constant 0 : i32
    %dma_wait3A_14 = tpu.memref_slice %arg6[%dma_wait3A_12, %dma_wait3A_13] : memref<5888x768xf32, #tpu.memory_space<hbm>> -> memref<5888x768xf32, #tpu.memory_space<hbm>>
    tpu.wait_indirect_dma semaphore(%arg13 : memref<!tpu.dma_semaphore, #tpu.memory_space<semaphore_mem>>) src(%arg11 : memref<128x768xf32, #tpu.memory_space<vmem>>) dst(%dma_wait3A_14 : memref<5888x768xf32, #tpu.memory_space<hbm>>)
    %dma_wait3A_15 = arith.constant 0 : i32
    %dma_wait3A_16 = tpu.memref_slice %arg7[%dma_wait3A_15] : memref<5888xf32, #tpu.memory_space<hbm>> -> memref<5888xf32, #tpu.memory_space<hbm>>
    tpu.wait_indirect_dma semaphore(%arg14 : memref<!tpu.dma_semaphore, #tpu.memory_space<semaphore_mem>>) src(%arg10 : memref<128xf32, #tpu.memory_space<vmem>>) dst(%dma_wait3A_16 : memref<5888xf32, #tpu.memory_space<hbm>>)
    return
  }
}

module attributes {stable_mosaic.version = 14 : i64} {
  func.func @_plan_block(%arg0: i32, %arg1: memref<32x128xi32, #tpu.memory_space<vmem>>, %arg2: memref<32x128xi32, #tpu.memory_space<vmem>>, %arg3: memref<8x128xi32, #tpu.memory_space<vmem>>) attributes {dimension_semantics = [#tpu.dimension_semantics<arbitrary>], iteration_bounds = array<i64: 1>, scalar_prefetch = 0 : i64, scratch_operands = 0 : i64, tpu.core_type = #tpu.core_type<tc>, window_params = [{pipeline_mode = #tpu.pipeline_mode<synchronous>, transform_indices = @transform_0, window_bounds = array<i64: 32, 128>}, {pipeline_mode = #tpu.pipeline_mode<synchronous>, transform_indices = @transform_1, window_bounds = array<i64: 32, 128>}, {pipeline_mode = #tpu.pipeline_mode<synchronous>, transform_indices = @transform_2, window_bounds = array<i64: 8, 128>}]} {
    %get3A = arith.constant 0 : index
    %get3A_0 = arith.constant 0 : index
    %get3A_1 = vector.load %arg1[%get3A, %get3A_0] : memref<32x128xi32, #tpu.memory_space<vmem>>, vector<32x128xi32>
    %iota3A = tpu.iota {dimensions = array<i32: 0>} : vector<128x128xi32>
    %iota3A_2 = tpu.iota {dimensions = array<i32: 1>} : vector<128x128xi32>
    %le3A = arith.cmpi sle, %iota3A, %iota3A_2 : vector<128x128xi32>
    %convert_element_type3A = arith.extui %le3A : vector<128x128xi1> to vector<128x128xi32>
    %convert_element_type3A_3 = arith.sitofp %convert_element_type3A : vector<128x128xi32> to vector<128x128xf32>
    %iota3A_4 = tpu.iota {dimensions = array<i32: 0>} : vector<32x32xi32>
    %iota3A_5 = tpu.iota {dimensions = array<i32: 1>} : vector<32x32xi32>
    %lt3A = arith.cmpi slt, %iota3A_5, %iota3A_4 : vector<32x32xi32>
    %convert_element_type3A_6 = arith.extui %lt3A : vector<32x32xi1> to vector<32x32xi32>
    %convert_element_type3A_7 = arith.sitofp %convert_element_type3A_6 : vector<32x32xi32> to vector<32x32xf32>
    %eq3A = arith.constant 0 : i32
    %eq3A_8 = vector.broadcast %eq3A : i32 to vector<32x128xi32>
    %eq3A_9 = arith.cmpi eq, %get3A_1, %eq3A_8 : vector<32x128xi32>
    %convert_element_type3A_10 = arith.extui %eq3A_9 : vector<32x128xi1> to vector<32x128xi32>
    %convert_element_type3A_11 = arith.sitofp %convert_element_type3A_10 : vector<32x128xi32> to vector<32x128xf32>
    %dot_general3A = arith.constant dense<0.000000e+00> : vector<32x128xf32>
    %dot_general3A_12 = tpu.matmul %convert_element_type3A_11, %convert_element_type3A_3, %dot_general3A {dimension_numbers = #tpu.dot_dimension_numbers<[1], [0], [0], [1], [0, 0, 1, 1], [], []>, transpose_lhs_hint = false} : vector<32x128xf32>, vector<128x128xf32>, vector<32x128xf32> -> vector<32x128xf32>
    %slice3A = vector.extract_strided_slice %dot_general3A_12 {offsets = [0, 127], sizes = [32, 1], strides = [1, 1]} : vector<32x128xf32> to vector<32x1xf32>
    %broadcast_in_dim3A = vector.shape_cast %slice3A : vector<32x1xf32> to vector<32x1xf32>
    %broadcast_in_dim3A_13 = vector.broadcast %broadcast_in_dim3A : vector<32x1xf32> to vector<32x128xf32>
    %dot_general3A_14 = arith.constant dense<0.000000e+00> : vector<32x128xf32>
    %dot_general3A_15 = tpu.matmul %convert_element_type3A_7, %broadcast_in_dim3A_13, %dot_general3A_14 {dimension_numbers = #tpu.dot_dimension_numbers<[1], [0], [0], [1], [0, 0, 1, 1], [], []>, transpose_lhs_hint = false} : vector<32x32xf32>, vector<32x128xf32>, vector<32x128xf32> -> vector<32x128xf32>
    %add3A = arith.addf %dot_general3A_15, %dot_general3A_12 : vector<32x128xf32>
    %sub3A = arith.subf %add3A, %convert_element_type3A_11 : vector<32x128xf32>
    %reduce_sum3A = vector.shape_cast %convert_element_type3A_11 : vector<32x128xf32> to vector<1x32x128xf32>
    %reduce_sum3A_16 = arith.constant dense<0.000000e+00> : vector<1xf32>
    %reduce_sum3A_17 = vector.multi_reduction <add>, %reduce_sum3A, %reduce_sum3A_16 [1, 2] : vector<1x32x128xf32> to vector<1xf32>
    %reduce_sum3A_18 = vector.shape_cast %reduce_sum3A_17 : vector<1xf32> to vector<1x1x1xf32>
    %reduce_sum3A_19 = vector.extract %reduce_sum3A_18[0, 0, 0] : f32 from vector<1x1x1xf32>
    %eq3A_20 = arith.constant 1 : i32
    %eq3A_21 = vector.broadcast %eq3A_20 : i32 to vector<32x128xi32>
    %eq3A_22 = arith.cmpi eq, %get3A_1, %eq3A_21 : vector<32x128xi32>
    %convert_element_type3A_23 = arith.extui %eq3A_22 : vector<32x128xi1> to vector<32x128xi32>
    %convert_element_type3A_24 = arith.sitofp %convert_element_type3A_23 : vector<32x128xi32> to vector<32x128xf32>
    %dot_general3A_25 = arith.constant dense<0.000000e+00> : vector<32x128xf32>
    %dot_general3A_26 = tpu.matmul %convert_element_type3A_24, %convert_element_type3A_3, %dot_general3A_25 {dimension_numbers = #tpu.dot_dimension_numbers<[1], [0], [0], [1], [0, 0, 1, 1], [], []>, transpose_lhs_hint = false} : vector<32x128xf32>, vector<128x128xf32>, vector<32x128xf32> -> vector<32x128xf32>
    %slice3A_27 = vector.extract_strided_slice %dot_general3A_26 {offsets = [0, 127], sizes = [32, 1], strides = [1, 1]} : vector<32x128xf32> to vector<32x1xf32>
    %broadcast_in_dim3A_28 = vector.shape_cast %slice3A_27 : vector<32x1xf32> to vector<32x1xf32>
    %broadcast_in_dim3A_29 = vector.broadcast %broadcast_in_dim3A_28 : vector<32x1xf32> to vector<32x128xf32>
    %dot_general3A_30 = arith.constant dense<0.000000e+00> : vector<32x128xf32>
    %dot_general3A_31 = tpu.matmul %convert_element_type3A_7, %broadcast_in_dim3A_29, %dot_general3A_30 {dimension_numbers = #tpu.dot_dimension_numbers<[1], [0], [0], [1], [0, 0, 1, 1], [], []>, transpose_lhs_hint = false} : vector<32x32xf32>, vector<32x128xf32>, vector<32x128xf32> -> vector<32x128xf32>
    %add3A_32 = arith.addf %dot_general3A_31, %dot_general3A_26 : vector<32x128xf32>
    %sub3A_33 = arith.subf %add3A_32, %convert_element_type3A_24 : vector<32x128xf32>
    %reduce_sum3A_34 = vector.shape_cast %convert_element_type3A_24 : vector<32x128xf32> to vector<1x32x128xf32>
    %reduce_sum3A_35 = arith.constant dense<0.000000e+00> : vector<1xf32>
    %reduce_sum3A_36 = vector.multi_reduction <add>, %reduce_sum3A_34, %reduce_sum3A_35 [1, 2] : vector<1x32x128xf32> to vector<1xf32>
    %reduce_sum3A_37 = vector.shape_cast %reduce_sum3A_36 : vector<1xf32> to vector<1x1x1xf32>
    %reduce_sum3A_38 = vector.extract %reduce_sum3A_37[0, 0, 0] : f32 from vector<1x1x1xf32>
    %eq3A_39 = arith.constant 2 : i32
    %eq3A_40 = vector.broadcast %eq3A_39 : i32 to vector<32x128xi32>
    %eq3A_41 = arith.cmpi eq, %get3A_1, %eq3A_40 : vector<32x128xi32>
    %convert_element_type3A_42 = arith.extui %eq3A_41 : vector<32x128xi1> to vector<32x128xi32>
    %convert_element_type3A_43 = arith.sitofp %convert_element_type3A_42 : vector<32x128xi32> to vector<32x128xf32>
    %dot_general3A_44 = arith.constant dense<0.000000e+00> : vector<32x128xf32>
    %dot_general3A_45 = tpu.matmul %convert_element_type3A_43, %convert_element_type3A_3, %dot_general3A_44 {dimension_numbers = #tpu.dot_dimension_numbers<[1], [0], [0], [1], [0, 0, 1, 1], [], []>, transpose_lhs_hint = false} : vector<32x128xf32>, vector<128x128xf32>, vector<32x128xf32> -> vector<32x128xf32>
    %slice3A_46 = vector.extract_strided_slice %dot_general3A_45 {offsets = [0, 127], sizes = [32, 1], strides = [1, 1]} : vector<32x128xf32> to vector<32x1xf32>
    %broadcast_in_dim3A_47 = vector.shape_cast %slice3A_46 : vector<32x1xf32> to vector<32x1xf32>
    %broadcast_in_dim3A_48 = vector.broadcast %broadcast_in_dim3A_47 : vector<32x1xf32> to vector<32x128xf32>
    %dot_general3A_49 = arith.constant dense<0.000000e+00> : vector<32x128xf32>
    %dot_general3A_50 = tpu.matmul %convert_element_type3A_7, %broadcast_in_dim3A_48, %dot_general3A_49 {dimension_numbers = #tpu.dot_dimension_numbers<[1], [0], [0], [1], [0, 0, 1, 1], [], []>, transpose_lhs_hint = false} : vector<32x32xf32>, vector<32x128xf32>, vector<32x128xf32> -> vector<32x128xf32>
    %add3A_51 = arith.addf %dot_general3A_50, %dot_general3A_45 : vector<32x128xf32>
    %sub3A_52 = arith.subf %add3A_51, %convert_element_type3A_43 : vector<32x128xf32>
    %reduce_sum3A_53 = vector.shape_cast %convert_element_type3A_43 : vector<32x128xf32> to vector<1x32x128xf32>
    %reduce_sum3A_54 = arith.constant dense<0.000000e+00> : vector<1xf32>
    %reduce_sum3A_55 = vector.multi_reduction <add>, %reduce_sum3A_53, %reduce_sum3A_54 [1, 2] : vector<1x32x128xf32> to vector<1xf32>
    %reduce_sum3A_56 = vector.shape_cast %reduce_sum3A_55 : vector<1xf32> to vector<1x1x1xf32>
    %reduce_sum3A_57 = vector.extract %reduce_sum3A_56[0, 0, 0] : f32 from vector<1x1x1xf32>
    %eq3A_58 = arith.constant 3 : i32
    %eq3A_59 = vector.broadcast %eq3A_58 : i32 to vector<32x128xi32>
    %eq3A_60 = arith.cmpi eq, %get3A_1, %eq3A_59 : vector<32x128xi32>
    %convert_element_type3A_61 = arith.extui %eq3A_60 : vector<32x128xi1> to vector<32x128xi32>
    %convert_element_type3A_62 = arith.sitofp %convert_element_type3A_61 : vector<32x128xi32> to vector<32x128xf32>
    %dot_general3A_63 = arith.constant dense<0.000000e+00> : vector<32x128xf32>
    %dot_general3A_64 = tpu.matmul %convert_element_type3A_62, %convert_element_type3A_3, %dot_general3A_63 {dimension_numbers = #tpu.dot_dimension_numbers<[1], [0], [0], [1], [0, 0, 1, 1], [], []>, transpose_lhs_hint = false} : vector<32x128xf32>, vector<128x128xf32>, vector<32x128xf32> -> vector<32x128xf32>
    %slice3A_65 = vector.extract_strided_slice %dot_general3A_64 {offsets = [0, 127], sizes = [32, 1], strides = [1, 1]} : vector<32x128xf32> to vector<32x1xf32>
    %broadcast_in_dim3A_66 = vector.shape_cast %slice3A_65 : vector<32x1xf32> to vector<32x1xf32>
    %broadcast_in_dim3A_67 = vector.broadcast %broadcast_in_dim3A_66 : vector<32x1xf32> to vector<32x128xf32>
    %dot_general3A_68 = arith.constant dense<0.000000e+00> : vector<32x128xf32>
    %dot_general3A_69 = tpu.matmul %convert_element_type3A_7, %broadcast_in_dim3A_67, %dot_general3A_68 {dimension_numbers = #tpu.dot_dimension_numbers<[1], [0], [0], [1], [0, 0, 1, 1], [], []>, transpose_lhs_hint = false} : vector<32x32xf32>, vector<32x128xf32>, vector<32x128xf32> -> vector<32x128xf32>
    %add3A_70 = arith.addf %dot_general3A_69, %dot_general3A_64 : vector<32x128xf32>
    %sub3A_71 = arith.subf %add3A_70, %convert_element_type3A_62 : vector<32x128xf32>
    %reduce_sum3A_72 = vector.shape_cast %convert_element_type3A_62 : vector<32x128xf32> to vector<1x32x128xf32>
    %reduce_sum3A_73 = arith.constant dense<0.000000e+00> : vector<1xf32>
    %reduce_sum3A_74 = vector.multi_reduction <add>, %reduce_sum3A_72, %reduce_sum3A_73 [1, 2] : vector<1x32x128xf32> to vector<1xf32>
    %reduce_sum3A_75 = vector.shape_cast %reduce_sum3A_74 : vector<1xf32> to vector<1x1x1xf32>
    %reduce_sum3A_76 = vector.extract %reduce_sum3A_75[0, 0, 0] : f32 from vector<1x1x1xf32>
    %eq3A_77 = arith.constant 4 : i32
    %eq3A_78 = vector.broadcast %eq3A_77 : i32 to vector<32x128xi32>
    %eq3A_79 = arith.cmpi eq, %get3A_1, %eq3A_78 : vector<32x128xi32>
    %convert_element_type3A_80 = arith.extui %eq3A_79 : vector<32x128xi1> to vector<32x128xi32>
    %convert_element_type3A_81 = arith.sitofp %convert_element_type3A_80 : vector<32x128xi32> to vector<32x128xf32>
    %dot_general3A_82 = arith.constant dense<0.000000e+00> : vector<32x128xf32>
    %dot_general3A_83 = tpu.matmul %convert_element_type3A_81, %convert_element_type3A_3, %dot_general3A_82 {dimension_numbers = #tpu.dot_dimension_numbers<[1], [0], [0], [1], [0, 0, 1, 1], [], []>, transpose_lhs_hint = false} : vector<32x128xf32>, vector<128x128xf32>, vector<32x128xf32> -> vector<32x128xf32>
    %slice3A_84 = vector.extract_strided_slice %dot_general3A_83 {offsets = [0, 127], sizes = [32, 1], strides = [1, 1]} : vector<32x128xf32> to vector<32x1xf32>
    %broadcast_in_dim3A_85 = vector.shape_cast %slice3A_84 : vector<32x1xf32> to vector<32x1xf32>
    %broadcast_in_dim3A_86 = vector.broadcast %broadcast_in_dim3A_85 : vector<32x1xf32> to vector<32x128xf32>
    %dot_general3A_87 = arith.constant dense<0.000000e+00> : vector<32x128xf32>
    %dot_general3A_88 = tpu.matmul %convert_element_type3A_7, %broadcast_in_dim3A_86, %dot_general3A_87 {dimension_numbers = #tpu.dot_dimension_numbers<[1], [0], [0], [1], [0, 0, 1, 1], [], []>, transpose_lhs_hint = false} : vector<32x32xf32>, vector<32x128xf32>, vector<32x128xf32> -> vector<32x128xf32>
    %add3A_89 = arith.addf %dot_general3A_88, %dot_general3A_83 : vector<32x128xf32>
    %sub3A_90 = arith.subf %add3A_89, %convert_element_type3A_81 : vector<32x128xf32>
    %reduce_sum3A_91 = vector.shape_cast %convert_element_type3A_81 : vector<32x128xf32> to vector<1x32x128xf32>
    %reduce_sum3A_92 = arith.constant dense<0.000000e+00> : vector<1xf32>
    %reduce_sum3A_93 = vector.multi_reduction <add>, %reduce_sum3A_91, %reduce_sum3A_92 [1, 2] : vector<1x32x128xf32> to vector<1xf32>
    %reduce_sum3A_94 = vector.shape_cast %reduce_sum3A_93 : vector<1xf32> to vector<1x1x1xf32>
    %reduce_sum3A_95 = vector.extract %reduce_sum3A_94[0, 0, 0] : f32 from vector<1x1x1xf32>
    %eq3A_96 = arith.constant 5 : i32
    %eq3A_97 = vector.broadcast %eq3A_96 : i32 to vector<32x128xi32>
    %eq3A_98 = arith.cmpi eq, %get3A_1, %eq3A_97 : vector<32x128xi32>
    %convert_element_type3A_99 = arith.extui %eq3A_98 : vector<32x128xi1> to vector<32x128xi32>
    %convert_element_type3A_100 = arith.sitofp %convert_element_type3A_99 : vector<32x128xi32> to vector<32x128xf32>
    %dot_general3A_101 = arith.constant dense<0.000000e+00> : vector<32x128xf32>
    %dot_general3A_102 = tpu.matmul %convert_element_type3A_100, %convert_element_type3A_3, %dot_general3A_101 {dimension_numbers = #tpu.dot_dimension_numbers<[1], [0], [0], [1], [0, 0, 1, 1], [], []>, transpose_lhs_hint = false} : vector<32x128xf32>, vector<128x128xf32>, vector<32x128xf32> -> vector<32x128xf32>
    %slice3A_103 = vector.extract_strided_slice %dot_general3A_102 {offsets = [0, 127], sizes = [32, 1], strides = [1, 1]} : vector<32x128xf32> to vector<32x1xf32>
    %broadcast_in_dim3A_104 = vector.shape_cast %slice3A_103 : vector<32x1xf32> to vector<32x1xf32>
    %broadcast_in_dim3A_105 = vector.broadcast %broadcast_in_dim3A_104 : vector<32x1xf32> to vector<32x128xf32>
    %dot_general3A_106 = arith.constant dense<0.000000e+00> : vector<32x128xf32>
    %dot_general3A_107 = tpu.matmul %convert_element_type3A_7, %broadcast_in_dim3A_105, %dot_general3A_106 {dimension_numbers = #tpu.dot_dimension_numbers<[1], [0], [0], [1], [0, 0, 1, 1], [], []>, transpose_lhs_hint = false} : vector<32x32xf32>, vector<32x128xf32>, vector<32x128xf32> -> vector<32x128xf32>
    %add3A_108 = arith.addf %dot_general3A_107, %dot_general3A_102 : vector<32x128xf32>
    %sub3A_109 = arith.subf %add3A_108, %convert_element_type3A_100 : vector<32x128xf32>
    %reduce_sum3A_110 = vector.shape_cast %convert_element_type3A_100 : vector<32x128xf32> to vector<1x32x128xf32>
    %reduce_sum3A_111 = arith.constant dense<0.000000e+00> : vector<1xf32>
    %reduce_sum3A_112 = vector.multi_reduction <add>, %reduce_sum3A_110, %reduce_sum3A_111 [1, 2] : vector<1x32x128xf32> to vector<1xf32>
    %reduce_sum3A_113 = vector.shape_cast %reduce_sum3A_112 : vector<1xf32> to vector<1x1x1xf32>
    %reduce_sum3A_114 = vector.extract %reduce_sum3A_113[0, 0, 0] : f32 from vector<1x1x1xf32>
    %eq3A_115 = arith.constant 6 : i32
    %eq3A_116 = vector.broadcast %eq3A_115 : i32 to vector<32x128xi32>
    %eq3A_117 = arith.cmpi eq, %get3A_1, %eq3A_116 : vector<32x128xi32>
    %convert_element_type3A_118 = arith.extui %eq3A_117 : vector<32x128xi1> to vector<32x128xi32>
    %convert_element_type3A_119 = arith.sitofp %convert_element_type3A_118 : vector<32x128xi32> to vector<32x128xf32>
    %dot_general3A_120 = arith.constant dense<0.000000e+00> : vector<32x128xf32>
    %dot_general3A_121 = tpu.matmul %convert_element_type3A_119, %convert_element_type3A_3, %dot_general3A_120 {dimension_numbers = #tpu.dot_dimension_numbers<[1], [0], [0], [1], [0, 0, 1, 1], [], []>, transpose_lhs_hint = false} : vector<32x128xf32>, vector<128x128xf32>, vector<32x128xf32> -> vector<32x128xf32>
    %slice3A_122 = vector.extract_strided_slice %dot_general3A_121 {offsets = [0, 127], sizes = [32, 1], strides = [1, 1]} : vector<32x128xf32> to vector<32x1xf32>
    %broadcast_in_dim3A_123 = vector.shape_cast %slice3A_122 : vector<32x1xf32> to vector<32x1xf32>
    %broadcast_in_dim3A_124 = vector.broadcast %broadcast_in_dim3A_123 : vector<32x1xf32> to vector<32x128xf32>
    %dot_general3A_125 = arith.constant dense<0.000000e+00> : vector<32x128xf32>
    %dot_general3A_126 = tpu.matmul %convert_element_type3A_7, %broadcast_in_dim3A_124, %dot_general3A_125 {dimension_numbers = #tpu.dot_dimension_numbers<[1], [0], [0], [1], [0, 0, 1, 1], [], []>, transpose_lhs_hint = false} : vector<32x32xf32>, vector<32x128xf32>, vector<32x128xf32> -> vector<32x128xf32>
    %add3A_127 = arith.addf %dot_general3A_126, %dot_general3A_121 : vector<32x128xf32>
    %sub3A_128 = arith.subf %add3A_127, %convert_element_type3A_119 : vector<32x128xf32>
    %reduce_sum3A_129 = vector.shape_cast %convert_element_type3A_119 : vector<32x128xf32> to vector<1x32x128xf32>
    %reduce_sum3A_130 = arith.constant dense<0.000000e+00> : vector<1xf32>
    %reduce_sum3A_131 = vector.multi_reduction <add>, %reduce_sum3A_129, %reduce_sum3A_130 [1, 2] : vector<1x32x128xf32> to vector<1xf32>
    %reduce_sum3A_132 = vector.shape_cast %reduce_sum3A_131 : vector<1xf32> to vector<1x1x1xf32>
    %reduce_sum3A_133 = vector.extract %reduce_sum3A_132[0, 0, 0] : f32 from vector<1x1x1xf32>
    %eq3A_134 = arith.constant 7 : i32
    %eq3A_135 = vector.broadcast %eq3A_134 : i32 to vector<32x128xi32>
    %eq3A_136 = arith.cmpi eq, %get3A_1, %eq3A_135 : vector<32x128xi32>
    %convert_element_type3A_137 = arith.extui %eq3A_136 : vector<32x128xi1> to vector<32x128xi32>
    %convert_element_type3A_138 = arith.sitofp %convert_element_type3A_137 : vector<32x128xi32> to vector<32x128xf32>
    %dot_general3A_139 = arith.constant dense<0.000000e+00> : vector<32x128xf32>
    %dot_general3A_140 = tpu.matmul %convert_element_type3A_138, %convert_element_type3A_3, %dot_general3A_139 {dimension_numbers = #tpu.dot_dimension_numbers<[1], [0], [0], [1], [0, 0, 1, 1], [], []>, transpose_lhs_hint = false} : vector<32x128xf32>, vector<128x128xf32>, vector<32x128xf32> -> vector<32x128xf32>
    %slice3A_141 = vector.extract_strided_slice %dot_general3A_140 {offsets = [0, 127], sizes = [32, 1], strides = [1, 1]} : vector<32x128xf32> to vector<32x1xf32>
    %broadcast_in_dim3A_142 = vector.shape_cast %slice3A_141 : vector<32x1xf32> to vector<32x1xf32>
    %broadcast_in_dim3A_143 = vector.broadcast %broadcast_in_dim3A_142 : vector<32x1xf32> to vector<32x128xf32>
    %dot_general3A_144 = arith.constant dense<0.000000e+00> : vector<32x128xf32>
    %dot_general3A_145 = tpu.matmul %convert_element_type3A_7, %broadcast_in_dim3A_143, %dot_general3A_144 {dimension_numbers = #tpu.dot_dimension_numbers<[1], [0], [0], [1], [0, 0, 1, 1], [], []>, transpose_lhs_hint = false} : vector<32x32xf32>, vector<32x128xf32>, vector<32x128xf32> -> vector<32x128xf32>
    %add3A_146 = arith.addf %dot_general3A_145, %dot_general3A_140 : vector<32x128xf32>
    %sub3A_147 = arith.subf %add3A_146, %convert_element_type3A_138 : vector<32x128xf32>
    %reduce_sum3A_148 = vector.shape_cast %convert_element_type3A_138 : vector<32x128xf32> to vector<1x32x128xf32>
    %reduce_sum3A_149 = arith.constant dense<0.000000e+00> : vector<1xf32>
    %reduce_sum3A_150 = vector.multi_reduction <add>, %reduce_sum3A_148, %reduce_sum3A_149 [1, 2] : vector<1x32x128xf32> to vector<1xf32>
    %reduce_sum3A_151 = vector.shape_cast %reduce_sum3A_150 : vector<1xf32> to vector<1x1x1xf32>
    %reduce_sum3A_152 = vector.extract %reduce_sum3A_151[0, 0, 0] : f32 from vector<1x1x1xf32>
    %convert_element_type3A_153 = arith.fptosi %reduce_sum3A_19 : f32 to i32
    %add3A_154 = arith.constant 255 : i32
    %add3A_155 = arith.addi %convert_element_type3A_153, %add3A_154 : i32
    %jit3A = arith.constant 256 : i32
    %div3A = arith.divsi %add3A_155, %jit3A : i32
    %sign3A = arith.constant 0 : i32
    %sign3A_156 = arith.cmpi sgt, %add3A_155, %sign3A : i32
    %sign3A_157 = arith.extui %sign3A_156 : i1 to i32
    %sign3A_158 = arith.constant 0 : i32
    %sign3A_159 = arith.cmpi slt, %add3A_155, %sign3A_158 : i32
    %sign3A_160 = arith.extui %sign3A_159 : i1 to i32
    %sign3A_161 = arith.subi %sign3A_157, %sign3A_160 : i32
    %sign3A_162 = arith.constant 0 : i32
    %sign3A_163 = arith.cmpi sgt, %jit3A, %sign3A_162 : i32
    %sign3A_164 = arith.extui %sign3A_163 : i1 to i32
    %sign3A_165 = arith.constant 0 : i32
    %sign3A_166 = arith.cmpi slt, %jit3A, %sign3A_165 : i32
    %sign3A_167 = arith.extui %sign3A_166 : i1 to i32
    %sign3A_168 = arith.subi %sign3A_164, %sign3A_167 : i32
    %ne3A = arith.cmpi ne, %sign3A_161, %sign3A_168 : i32
    %rem3A = arith.remsi %add3A_155, %jit3A : i32
    %ne3A_169 = arith.constant 0 : i32
    %ne3A_170 = arith.cmpi ne, %rem3A, %ne3A_169 : i32
    %and3A = arith.andi %ne3A, %ne3A_170 : i1
    %sub3A_171 = arith.constant 1 : i32
    %sub3A_172 = arith.subi %div3A, %sub3A_171 : i32
    %select_n3A = arith.select %and3A, %sub3A_172, %div3A : i32
    %mul3A = arith.constant 256 : i32
    %mul3A_173 = arith.muli %select_n3A, %mul3A : i32
    %add3A_174 = arith.constant 0 : i32
    %add3A_175 = arith.addi %add3A_174, %mul3A_173 : i32
    %jit3A_176 = arith.constant 256 : i32
    %div3A_177 = arith.divsi %add3A_175, %jit3A_176 : i32
    %sign3A_178 = arith.constant 0 : i32
    %sign3A_179 = arith.cmpi sgt, %add3A_175, %sign3A_178 : i32
    %sign3A_180 = arith.extui %sign3A_179 : i1 to i32
    %sign3A_181 = arith.constant 0 : i32
    %sign3A_182 = arith.cmpi slt, %add3A_175, %sign3A_181 : i32
    %sign3A_183 = arith.extui %sign3A_182 : i1 to i32
    %sign3A_184 = arith.subi %sign3A_180, %sign3A_183 : i32
    %sign3A_185 = arith.constant 0 : i32
    %sign3A_186 = arith.cmpi sgt, %jit3A_176, %sign3A_185 : i32
    %sign3A_187 = arith.extui %sign3A_186 : i1 to i32
    %sign3A_188 = arith.constant 0 : i32
    %sign3A_189 = arith.cmpi slt, %jit3A_176, %sign3A_188 : i32
    %sign3A_190 = arith.extui %sign3A_189 : i1 to i32
    %sign3A_191 = arith.subi %sign3A_187, %sign3A_190 : i32
    %ne3A_192 = arith.cmpi ne, %sign3A_184, %sign3A_191 : i32
    %rem3A_193 = arith.remsi %add3A_175, %jit3A_176 : i32
    %ne3A_194 = arith.constant 0 : i32
    %ne3A_195 = arith.cmpi ne, %rem3A_193, %ne3A_194 : i32
    %and3A_196 = arith.andi %ne3A_192, %ne3A_195 : i1
    %sub3A_197 = arith.constant 1 : i32
    %sub3A_198 = arith.subi %div3A_177, %sub3A_197 : i32
    %select_n3A_199 = arith.select %and3A_196, %sub3A_198, %div3A_177 : i32
    %convert_element_type3A_200 = arith.fptosi %reduce_sum3A_38 : f32 to i32
    %add3A_201 = arith.constant 255 : i32
    %add3A_202 = arith.addi %convert_element_type3A_200, %add3A_201 : i32
    %jit3A_203 = arith.constant 256 : i32
    %div3A_204 = arith.divsi %add3A_202, %jit3A_203 : i32
    %sign3A_205 = arith.constant 0 : i32
    %sign3A_206 = arith.cmpi sgt, %add3A_202, %sign3A_205 : i32
    %sign3A_207 = arith.extui %sign3A_206 : i1 to i32
    %sign3A_208 = arith.constant 0 : i32
    %sign3A_209 = arith.cmpi slt, %add3A_202, %sign3A_208 : i32
    %sign3A_210 = arith.extui %sign3A_209 : i1 to i32
    %sign3A_211 = arith.subi %sign3A_207, %sign3A_210 : i32
    %sign3A_212 = arith.constant 0 : i32
    %sign3A_213 = arith.cmpi sgt, %jit3A_203, %sign3A_212 : i32
    %sign3A_214 = arith.extui %sign3A_213 : i1 to i32
    %sign3A_215 = arith.constant 0 : i32
    %sign3A_216 = arith.cmpi slt, %jit3A_203, %sign3A_215 : i32
    %sign3A_217 = arith.extui %sign3A_216 : i1 to i32
    %sign3A_218 = arith.subi %sign3A_214, %sign3A_217 : i32
    %ne3A_219 = arith.cmpi ne, %sign3A_211, %sign3A_218 : i32
    %rem3A_220 = arith.remsi %add3A_202, %jit3A_203 : i32
    %ne3A_221 = arith.constant 0 : i32
    %ne3A_222 = arith.cmpi ne, %rem3A_220, %ne3A_221 : i32
    %and3A_223 = arith.andi %ne3A_219, %ne3A_222 : i1
    %sub3A_224 = arith.constant 1 : i32
    %sub3A_225 = arith.subi %div3A_204, %sub3A_224 : i32
    %select_n3A_226 = arith.select %and3A_223, %sub3A_225, %div3A_204 : i32
    %mul3A_227 = arith.constant 256 : i32
    %mul3A_228 = arith.muli %select_n3A_226, %mul3A_227 : i32
    %add3A_229 = arith.addi %add3A_175, %mul3A_228 : i32
    %jit3A_230 = arith.constant 256 : i32
    %div3A_231 = arith.divsi %add3A_229, %jit3A_230 : i32
    %sign3A_232 = arith.constant 0 : i32
    %sign3A_233 = arith.cmpi sgt, %add3A_229, %sign3A_232 : i32
    %sign3A_234 = arith.extui %sign3A_233 : i1 to i32
    %sign3A_235 = arith.constant 0 : i32
    %sign3A_236 = arith.cmpi slt, %add3A_229, %sign3A_235 : i32
    %sign3A_237 = arith.extui %sign3A_236 : i1 to i32
    %sign3A_238 = arith.subi %sign3A_234, %sign3A_237 : i32
    %sign3A_239 = arith.constant 0 : i32
    %sign3A_240 = arith.cmpi sgt, %jit3A_230, %sign3A_239 : i32
    %sign3A_241 = arith.extui %sign3A_240 : i1 to i32
    %sign3A_242 = arith.constant 0 : i32
    %sign3A_243 = arith.cmpi slt, %jit3A_230, %sign3A_242 : i32
    %sign3A_244 = arith.extui %sign3A_243 : i1 to i32
    %sign3A_245 = arith.subi %sign3A_241, %sign3A_244 : i32
    %ne3A_246 = arith.cmpi ne, %sign3A_238, %sign3A_245 : i32
    %rem3A_247 = arith.remsi %add3A_229, %jit3A_230 : i32
    %ne3A_248 = arith.constant 0 : i32
    %ne3A_249 = arith.cmpi ne, %rem3A_247, %ne3A_248 : i32
    %and3A_250 = arith.andi %ne3A_246, %ne3A_249 : i1
    %sub3A_251 = arith.constant 1 : i32
    %sub3A_252 = arith.subi %div3A_231, %sub3A_251 : i32
    %select_n3A_253 = arith.select %and3A_250, %sub3A_252, %div3A_231 : i32
    %convert_element_type3A_254 = arith.fptosi %reduce_sum3A_57 : f32 to i32
    %add3A_255 = arith.constant 255 : i32
    %add3A_256 = arith.addi %convert_element_type3A_254, %add3A_255 : i32
    %jit3A_257 = arith.constant 256 : i32
    %div3A_258 = arith.divsi %add3A_256, %jit3A_257 : i32
    %sign3A_259 = arith.constant 0 : i32
    %sign3A_260 = arith.cmpi sgt, %add3A_256, %sign3A_259 : i32
    %sign3A_261 = arith.extui %sign3A_260 : i1 to i32
    %sign3A_262 = arith.constant 0 : i32
    %sign3A_263 = arith.cmpi slt, %add3A_256, %sign3A_262 : i32
    %sign3A_264 = arith.extui %sign3A_263 : i1 to i32
    %sign3A_265 = arith.subi %sign3A_261, %sign3A_264 : i32
    %sign3A_266 = arith.constant 0 : i32
    %sign3A_267 = arith.cmpi sgt, %jit3A_257, %sign3A_266 : i32
    %sign3A_268 = arith.extui %sign3A_267 : i1 to i32
    %sign3A_269 = arith.constant 0 : i32
    %sign3A_270 = arith.cmpi slt, %jit3A_257, %sign3A_269 : i32
    %sign3A_271 = arith.extui %sign3A_270 : i1 to i32
    %sign3A_272 = arith.subi %sign3A_268, %sign3A_271 : i32
    %ne3A_273 = arith.cmpi ne, %sign3A_265, %sign3A_272 : i32
    %rem3A_274 = arith.remsi %add3A_256, %jit3A_257 : i32
    %ne3A_275 = arith.constant 0 : i32
    %ne3A_276 = arith.cmpi ne, %rem3A_274, %ne3A_275 : i32
    %and3A_277 = arith.andi %ne3A_273, %ne3A_276 : i1
    %sub3A_278 = arith.constant 1 : i32
    %sub3A_279 = arith.subi %div3A_258, %sub3A_278 : i32
    %select_n3A_280 = arith.select %and3A_277, %sub3A_279, %div3A_258 : i32
    %mul3A_281 = arith.constant 256 : i32
    %mul3A_282 = arith.muli %select_n3A_280, %mul3A_281 : i32
    %add3A_283 = arith.addi %add3A_229, %mul3A_282 : i32
    %jit3A_284 = arith.constant 256 : i32
    %div3A_285 = arith.divsi %add3A_283, %jit3A_284 : i32
    %sign3A_286 = arith.constant 0 : i32
    %sign3A_287 = arith.cmpi sgt, %add3A_283, %sign3A_286 : i32
    %sign3A_288 = arith.extui %sign3A_287 : i1 to i32
    %sign3A_289 = arith.constant 0 : i32
    %sign3A_290 = arith.cmpi slt, %add3A_283, %sign3A_289 : i32
    %sign3A_291 = arith.extui %sign3A_290 : i1 to i32
    %sign3A_292 = arith.subi %sign3A_288, %sign3A_291 : i32
    %sign3A_293 = arith.constant 0 : i32
    %sign3A_294 = arith.cmpi sgt, %jit3A_284, %sign3A_293 : i32
    %sign3A_295 = arith.extui %sign3A_294 : i1 to i32
    %sign3A_296 = arith.constant 0 : i32
    %sign3A_297 = arith.cmpi slt, %jit3A_284, %sign3A_296 : i32
    %sign3A_298 = arith.extui %sign3A_297 : i1 to i32
    %sign3A_299 = arith.subi %sign3A_295, %sign3A_298 : i32
    %ne3A_300 = arith.cmpi ne, %sign3A_292, %sign3A_299 : i32
    %rem3A_301 = arith.remsi %add3A_283, %jit3A_284 : i32
    %ne3A_302 = arith.constant 0 : i32
    %ne3A_303 = arith.cmpi ne, %rem3A_301, %ne3A_302 : i32
    %and3A_304 = arith.andi %ne3A_300, %ne3A_303 : i1
    %sub3A_305 = arith.constant 1 : i32
    %sub3A_306 = arith.subi %div3A_285, %sub3A_305 : i32
    %select_n3A_307 = arith.select %and3A_304, %sub3A_306, %div3A_285 : i32
    %convert_element_type3A_308 = arith.fptosi %reduce_sum3A_76 : f32 to i32
    %add3A_309 = arith.constant 255 : i32
    %add3A_310 = arith.addi %convert_element_type3A_308, %add3A_309 : i32
    %jit3A_311 = arith.constant 256 : i32
    %div3A_312 = arith.divsi %add3A_310, %jit3A_311 : i32
    %sign3A_313 = arith.constant 0 : i32
    %sign3A_314 = arith.cmpi sgt, %add3A_310, %sign3A_313 : i32
    %sign3A_315 = arith.extui %sign3A_314 : i1 to i32
    %sign3A_316 = arith.constant 0 : i32
    %sign3A_317 = arith.cmpi slt, %add3A_310, %sign3A_316 : i32
    %sign3A_318 = arith.extui %sign3A_317 : i1 to i32
    %sign3A_319 = arith.subi %sign3A_315, %sign3A_318 : i32
    %sign3A_320 = arith.constant 0 : i32
    %sign3A_321 = arith.cmpi sgt, %jit3A_311, %sign3A_320 : i32
    %sign3A_322 = arith.extui %sign3A_321 : i1 to i32
    %sign3A_323 = arith.constant 0 : i32
    %sign3A_324 = arith.cmpi slt, %jit3A_311, %sign3A_323 : i32
    %sign3A_325 = arith.extui %sign3A_324 : i1 to i32
    %sign3A_326 = arith.subi %sign3A_322, %sign3A_325 : i32
    %ne3A_327 = arith.cmpi ne, %sign3A_319, %sign3A_326 : i32
    %rem3A_328 = arith.remsi %add3A_310, %jit3A_311 : i32
    %ne3A_329 = arith.constant 0 : i32
    %ne3A_330 = arith.cmpi ne, %rem3A_328, %ne3A_329 : i32
    %and3A_331 = arith.andi %ne3A_327, %ne3A_330 : i1
    %sub3A_332 = arith.constant 1 : i32
    %sub3A_333 = arith.subi %div3A_312, %sub3A_332 : i32
    %select_n3A_334 = arith.select %and3A_331, %sub3A_333, %div3A_312 : i32
    %mul3A_335 = arith.constant 256 : i32
    %mul3A_336 = arith.muli %select_n3A_334, %mul3A_335 : i32
    %add3A_337 = arith.addi %add3A_283, %mul3A_336 : i32
    %jit3A_338 = arith.constant 256 : i32
    %div3A_339 = arith.divsi %add3A_337, %jit3A_338 : i32
    %sign3A_340 = arith.constant 0 : i32
    %sign3A_341 = arith.cmpi sgt, %add3A_337, %sign3A_340 : i32
    %sign3A_342 = arith.extui %sign3A_341 : i1 to i32
    %sign3A_343 = arith.constant 0 : i32
    %sign3A_344 = arith.cmpi slt, %add3A_337, %sign3A_343 : i32
    %sign3A_345 = arith.extui %sign3A_344 : i1 to i32
    %sign3A_346 = arith.subi %sign3A_342, %sign3A_345 : i32
    %sign3A_347 = arith.constant 0 : i32
    %sign3A_348 = arith.cmpi sgt, %jit3A_338, %sign3A_347 : i32
    %sign3A_349 = arith.extui %sign3A_348 : i1 to i32
    %sign3A_350 = arith.constant 0 : i32
    %sign3A_351 = arith.cmpi slt, %jit3A_338, %sign3A_350 : i32
    %sign3A_352 = arith.extui %sign3A_351 : i1 to i32
    %sign3A_353 = arith.subi %sign3A_349, %sign3A_352 : i32
    %ne3A_354 = arith.cmpi ne, %sign3A_346, %sign3A_353 : i32
    %rem3A_355 = arith.remsi %add3A_337, %jit3A_338 : i32
    %ne3A_356 = arith.constant 0 : i32
    %ne3A_357 = arith.cmpi ne, %rem3A_355, %ne3A_356 : i32
    %and3A_358 = arith.andi %ne3A_354, %ne3A_357 : i1
    %sub3A_359 = arith.constant 1 : i32
    %sub3A_360 = arith.subi %div3A_339, %sub3A_359 : i32
    %select_n3A_361 = arith.select %and3A_358, %sub3A_360, %div3A_339 : i32
    %convert_element_type3A_362 = arith.fptosi %reduce_sum3A_95 : f32 to i32
    %add3A_363 = arith.constant 255 : i32
    %add3A_364 = arith.addi %convert_element_type3A_362, %add3A_363 : i32
    %jit3A_365 = arith.constant 256 : i32
    %div3A_366 = arith.divsi %add3A_364, %jit3A_365 : i32
    %sign3A_367 = arith.constant 0 : i32
    %sign3A_368 = arith.cmpi sgt, %add3A_364, %sign3A_367 : i32
    %sign3A_369 = arith.extui %sign3A_368 : i1 to i32
    %sign3A_370 = arith.constant 0 : i32
    %sign3A_371 = arith.cmpi slt, %add3A_364, %sign3A_370 : i32
    %sign3A_372 = arith.extui %sign3A_371 : i1 to i32
    %sign3A_373 = arith.subi %sign3A_369, %sign3A_372 : i32
    %sign3A_374 = arith.constant 0 : i32
    %sign3A_375 = arith.cmpi sgt, %jit3A_365, %sign3A_374 : i32
    %sign3A_376 = arith.extui %sign3A_375 : i1 to i32
    %sign3A_377 = arith.constant 0 : i32
    %sign3A_378 = arith.cmpi slt, %jit3A_365, %sign3A_377 : i32
    %sign3A_379 = arith.extui %sign3A_378 : i1 to i32
    %sign3A_380 = arith.subi %sign3A_376, %sign3A_379 : i32
    %ne3A_381 = arith.cmpi ne, %sign3A_373, %sign3A_380 : i32
    %rem3A_382 = arith.remsi %add3A_364, %jit3A_365 : i32
    %ne3A_383 = arith.constant 0 : i32
    %ne3A_384 = arith.cmpi ne, %rem3A_382, %ne3A_383 : i32
    %and3A_385 = arith.andi %ne3A_381, %ne3A_384 : i1
    %sub3A_386 = arith.constant 1 : i32
    %sub3A_387 = arith.subi %div3A_366, %sub3A_386 : i32
    %select_n3A_388 = arith.select %and3A_385, %sub3A_387, %div3A_366 : i32
    %mul3A_389 = arith.constant 256 : i32
    %mul3A_390 = arith.muli %select_n3A_388, %mul3A_389 : i32
    %add3A_391 = arith.addi %add3A_337, %mul3A_390 : i32
    %jit3A_392 = arith.constant 256 : i32
    %div3A_393 = arith.divsi %add3A_391, %jit3A_392 : i32
    %sign3A_394 = arith.constant 0 : i32
    %sign3A_395 = arith.cmpi sgt, %add3A_391, %sign3A_394 : i32
    %sign3A_396 = arith.extui %sign3A_395 : i1 to i32
    %sign3A_397 = arith.constant 0 : i32
    %sign3A_398 = arith.cmpi slt, %add3A_391, %sign3A_397 : i32
    %sign3A_399 = arith.extui %sign3A_398 : i1 to i32
    %sign3A_400 = arith.subi %sign3A_396, %sign3A_399 : i32
    %sign3A_401 = arith.constant 0 : i32
    %sign3A_402 = arith.cmpi sgt, %jit3A_392, %sign3A_401 : i32
    %sign3A_403 = arith.extui %sign3A_402 : i1 to i32
    %sign3A_404 = arith.constant 0 : i32
    %sign3A_405 = arith.cmpi slt, %jit3A_392, %sign3A_404 : i32
    %sign3A_406 = arith.extui %sign3A_405 : i1 to i32
    %sign3A_407 = arith.subi %sign3A_403, %sign3A_406 : i32
    %ne3A_408 = arith.cmpi ne, %sign3A_400, %sign3A_407 : i32
    %rem3A_409 = arith.remsi %add3A_391, %jit3A_392 : i32
    %ne3A_410 = arith.constant 0 : i32
    %ne3A_411 = arith.cmpi ne, %rem3A_409, %ne3A_410 : i32
    %and3A_412 = arith.andi %ne3A_408, %ne3A_411 : i1
    %sub3A_413 = arith.constant 1 : i32
    %sub3A_414 = arith.subi %div3A_393, %sub3A_413 : i32
    %select_n3A_415 = arith.select %and3A_412, %sub3A_414, %div3A_393 : i32
    %convert_element_type3A_416 = arith.fptosi %reduce_sum3A_114 : f32 to i32
    %add3A_417 = arith.constant 255 : i32
    %add3A_418 = arith.addi %convert_element_type3A_416, %add3A_417 : i32
    %jit3A_419 = arith.constant 256 : i32
    %div3A_420 = arith.divsi %add3A_418, %jit3A_419 : i32
    %sign3A_421 = arith.constant 0 : i32
    %sign3A_422 = arith.cmpi sgt, %add3A_418, %sign3A_421 : i32
    %sign3A_423 = arith.extui %sign3A_422 : i1 to i32
    %sign3A_424 = arith.constant 0 : i32
    %sign3A_425 = arith.cmpi slt, %add3A_418, %sign3A_424 : i32
    %sign3A_426 = arith.extui %sign3A_425 : i1 to i32
    %sign3A_427 = arith.subi %sign3A_423, %sign3A_426 : i32
    %sign3A_428 = arith.constant 0 : i32
    %sign3A_429 = arith.cmpi sgt, %jit3A_419, %sign3A_428 : i32
    %sign3A_430 = arith.extui %sign3A_429 : i1 to i32
    %sign3A_431 = arith.constant 0 : i32
    %sign3A_432 = arith.cmpi slt, %jit3A_419, %sign3A_431 : i32
    %sign3A_433 = arith.extui %sign3A_432 : i1 to i32
    %sign3A_434 = arith.subi %sign3A_430, %sign3A_433 : i32
    %ne3A_435 = arith.cmpi ne, %sign3A_427, %sign3A_434 : i32
    %rem3A_436 = arith.remsi %add3A_418, %jit3A_419 : i32
    %ne3A_437 = arith.constant 0 : i32
    %ne3A_438 = arith.cmpi ne, %rem3A_436, %ne3A_437 : i32
    %and3A_439 = arith.andi %ne3A_435, %ne3A_438 : i1
    %sub3A_440 = arith.constant 1 : i32
    %sub3A_441 = arith.subi %div3A_420, %sub3A_440 : i32
    %select_n3A_442 = arith.select %and3A_439, %sub3A_441, %div3A_420 : i32
    %mul3A_443 = arith.constant 256 : i32
    %mul3A_444 = arith.muli %select_n3A_442, %mul3A_443 : i32
    %add3A_445 = arith.addi %add3A_391, %mul3A_444 : i32
    %jit3A_446 = arith.constant 256 : i32
    %div3A_447 = arith.divsi %add3A_445, %jit3A_446 : i32
    %sign3A_448 = arith.constant 0 : i32
    %sign3A_449 = arith.cmpi sgt, %add3A_445, %sign3A_448 : i32
    %sign3A_450 = arith.extui %sign3A_449 : i1 to i32
    %sign3A_451 = arith.constant 0 : i32
    %sign3A_452 = arith.cmpi slt, %add3A_445, %sign3A_451 : i32
    %sign3A_453 = arith.extui %sign3A_452 : i1 to i32
    %sign3A_454 = arith.subi %sign3A_450, %sign3A_453 : i32
    %sign3A_455 = arith.constant 0 : i32
    %sign3A_456 = arith.cmpi sgt, %jit3A_446, %sign3A_455 : i32
    %sign3A_457 = arith.extui %sign3A_456 : i1 to i32
    %sign3A_458 = arith.constant 0 : i32
    %sign3A_459 = arith.cmpi slt, %jit3A_446, %sign3A_458 : i32
    %sign3A_460 = arith.extui %sign3A_459 : i1 to i32
    %sign3A_461 = arith.subi %sign3A_457, %sign3A_460 : i32
    %ne3A_462 = arith.cmpi ne, %sign3A_454, %sign3A_461 : i32
    %rem3A_463 = arith.remsi %add3A_445, %jit3A_446 : i32
    %ne3A_464 = arith.constant 0 : i32
    %ne3A_465 = arith.cmpi ne, %rem3A_463, %ne3A_464 : i32
    %and3A_466 = arith.andi %ne3A_462, %ne3A_465 : i1
    %sub3A_467 = arith.constant 1 : i32
    %sub3A_468 = arith.subi %div3A_447, %sub3A_467 : i32
    %select_n3A_469 = arith.select %and3A_466, %sub3A_468, %div3A_447 : i32
    %convert_element_type3A_470 = arith.fptosi %reduce_sum3A_133 : f32 to i32
    %add3A_471 = arith.constant 255 : i32
    %add3A_472 = arith.addi %convert_element_type3A_470, %add3A_471 : i32
    %jit3A_473 = arith.constant 256 : i32
    %div3A_474 = arith.divsi %add3A_472, %jit3A_473 : i32
    %sign3A_475 = arith.constant 0 : i32
    %sign3A_476 = arith.cmpi sgt, %add3A_472, %sign3A_475 : i32
    %sign3A_477 = arith.extui %sign3A_476 : i1 to i32
    %sign3A_478 = arith.constant 0 : i32
    %sign3A_479 = arith.cmpi slt, %add3A_472, %sign3A_478 : i32
    %sign3A_480 = arith.extui %sign3A_479 : i1 to i32
    %sign3A_481 = arith.subi %sign3A_477, %sign3A_480 : i32
    %sign3A_482 = arith.constant 0 : i32
    %sign3A_483 = arith.cmpi sgt, %jit3A_473, %sign3A_482 : i32
    %sign3A_484 = arith.extui %sign3A_483 : i1 to i32
    %sign3A_485 = arith.constant 0 : i32
    %sign3A_486 = arith.cmpi slt, %jit3A_473, %sign3A_485 : i32
    %sign3A_487 = arith.extui %sign3A_486 : i1 to i32
    %sign3A_488 = arith.subi %sign3A_484, %sign3A_487 : i32
    %ne3A_489 = arith.cmpi ne, %sign3A_481, %sign3A_488 : i32
    %rem3A_490 = arith.remsi %add3A_472, %jit3A_473 : i32
    %ne3A_491 = arith.constant 0 : i32
    %ne3A_492 = arith.cmpi ne, %rem3A_490, %ne3A_491 : i32
    %and3A_493 = arith.andi %ne3A_489, %ne3A_492 : i1
    %sub3A_494 = arith.constant 1 : i32
    %sub3A_495 = arith.subi %div3A_474, %sub3A_494 : i32
    %select_n3A_496 = arith.select %and3A_493, %sub3A_495, %div3A_474 : i32
    %mul3A_497 = arith.constant 256 : i32
    %mul3A_498 = arith.muli %select_n3A_496, %mul3A_497 : i32
    %add3A_499 = arith.addi %add3A_445, %mul3A_498 : i32
    %jit3A_500 = arith.constant 256 : i32
    %div3A_501 = arith.divsi %add3A_499, %jit3A_500 : i32
    %sign3A_502 = arith.constant 0 : i32
    %sign3A_503 = arith.cmpi sgt, %add3A_499, %sign3A_502 : i32
    %sign3A_504 = arith.extui %sign3A_503 : i1 to i32
    %sign3A_505 = arith.constant 0 : i32
    %sign3A_506 = arith.cmpi slt, %add3A_499, %sign3A_505 : i32
    %sign3A_507 = arith.extui %sign3A_506 : i1 to i32
    %sign3A_508 = arith.subi %sign3A_504, %sign3A_507 : i32
    %sign3A_509 = arith.constant 0 : i32
    %sign3A_510 = arith.cmpi sgt, %jit3A_500, %sign3A_509 : i32
    %sign3A_511 = arith.extui %sign3A_510 : i1 to i32
    %sign3A_512 = arith.constant 0 : i32
    %sign3A_513 = arith.cmpi slt, %jit3A_500, %sign3A_512 : i32
    %sign3A_514 = arith.extui %sign3A_513 : i1 to i32
    %sign3A_515 = arith.subi %sign3A_511, %sign3A_514 : i32
    %ne3A_516 = arith.cmpi ne, %sign3A_508, %sign3A_515 : i32
    %rem3A_517 = arith.remsi %add3A_499, %jit3A_500 : i32
    %ne3A_518 = arith.constant 0 : i32
    %ne3A_519 = arith.cmpi ne, %rem3A_517, %ne3A_518 : i32
    %and3A_520 = arith.andi %ne3A_516, %ne3A_519 : i1
    %sub3A_521 = arith.constant 1 : i32
    %sub3A_522 = arith.subi %div3A_501, %sub3A_521 : i32
    %select_n3A_523 = arith.select %and3A_520, %sub3A_522, %div3A_501 : i32
    %convert_element_type3A_524 = arith.fptosi %reduce_sum3A_152 : f32 to i32
    %add3A_525 = arith.constant 255 : i32
    %add3A_526 = arith.addi %convert_element_type3A_524, %add3A_525 : i32
    %jit3A_527 = arith.constant 256 : i32
    %div3A_528 = arith.divsi %add3A_526, %jit3A_527 : i32
    %sign3A_529 = arith.constant 0 : i32
    %sign3A_530 = arith.cmpi sgt, %add3A_526, %sign3A_529 : i32
    %sign3A_531 = arith.extui %sign3A_530 : i1 to i32
    %sign3A_532 = arith.constant 0 : i32
    %sign3A_533 = arith.cmpi slt, %add3A_526, %sign3A_532 : i32
    %sign3A_534 = arith.extui %sign3A_533 : i1 to i32
    %sign3A_535 = arith.subi %sign3A_531, %sign3A_534 : i32
    %sign3A_536 = arith.constant 0 : i32
    %sign3A_537 = arith.cmpi sgt, %jit3A_527, %sign3A_536 : i32
    %sign3A_538 = arith.extui %sign3A_537 : i1 to i32
    %sign3A_539 = arith.constant 0 : i32
    %sign3A_540 = arith.cmpi slt, %jit3A_527, %sign3A_539 : i32
    %sign3A_541 = arith.extui %sign3A_540 : i1 to i32
    %sign3A_542 = arith.subi %sign3A_538, %sign3A_541 : i32
    %ne3A_543 = arith.cmpi ne, %sign3A_535, %sign3A_542 : i32
    %rem3A_544 = arith.remsi %add3A_526, %jit3A_527 : i32
    %ne3A_545 = arith.constant 0 : i32
    %ne3A_546 = arith.cmpi ne, %rem3A_544, %ne3A_545 : i32
    %and3A_547 = arith.andi %ne3A_543, %ne3A_546 : i1
    %sub3A_548 = arith.constant 1 : i32
    %sub3A_549 = arith.subi %div3A_528, %sub3A_548 : i32
    %select_n3A_550 = arith.select %and3A_547, %sub3A_549, %div3A_528 : i32
    %mul3A_551 = arith.constant 256 : i32
    %mul3A_552 = arith.muli %select_n3A_550, %mul3A_551 : i32
    %add3A_553 = arith.addi %add3A_499, %mul3A_552 : i32
    %jit3A_554 = arith.constant 256 : i32
    %div3A_555 = arith.divsi %add3A_553, %jit3A_554 : i32
    %sign3A_556 = arith.constant 0 : i32
    %sign3A_557 = arith.cmpi sgt, %add3A_553, %sign3A_556 : i32
    %sign3A_558 = arith.extui %sign3A_557 : i1 to i32
    %sign3A_559 = arith.constant 0 : i32
    %sign3A_560 = arith.cmpi slt, %add3A_553, %sign3A_559 : i32
    %sign3A_561 = arith.extui %sign3A_560 : i1 to i32
    %sign3A_562 = arith.subi %sign3A_558, %sign3A_561 : i32
    %sign3A_563 = arith.constant 0 : i32
    %sign3A_564 = arith.cmpi sgt, %jit3A_554, %sign3A_563 : i32
    %sign3A_565 = arith.extui %sign3A_564 : i1 to i32
    %sign3A_566 = arith.constant 0 : i32
    %sign3A_567 = arith.cmpi slt, %jit3A_554, %sign3A_566 : i32
    %sign3A_568 = arith.extui %sign3A_567 : i1 to i32
    %sign3A_569 = arith.subi %sign3A_565, %sign3A_568 : i32
    %ne3A_570 = arith.cmpi ne, %sign3A_562, %sign3A_569 : i32
    %rem3A_571 = arith.remsi %add3A_553, %jit3A_554 : i32
    %ne3A_572 = arith.constant 0 : i32
    %ne3A_573 = arith.cmpi ne, %rem3A_571, %ne3A_572 : i32
    %and3A_574 = arith.andi %ne3A_570, %ne3A_573 : i1
    %sub3A_575 = arith.constant 1 : i32
    %sub3A_576 = arith.subi %div3A_555, %sub3A_575 : i32
    %select_n3A_577 = arith.select %and3A_574, %sub3A_576, %div3A_555 : i32
    %broadcast_in_dim3A_578 = arith.constant 0.000000e+00 : f32
    %broadcast_in_dim3A_579 = vector.broadcast %broadcast_in_dim3A_578 : f32 to vector<32x128xf32>
    %eq3A_580 = arith.constant 0 : i32
    %eq3A_581 = vector.broadcast %eq3A_580 : i32 to vector<32x128xi32>
    %eq3A_582 = arith.cmpi eq, %get3A_1, %eq3A_581 : vector<32x128xi32>
    %convert_element_type3A_583 = arith.extui %eq3A_582 : vector<32x128xi1> to vector<32x128xi32>
    %convert_element_type3A_584 = arith.sitofp %convert_element_type3A_583 : vector<32x128xi32> to vector<32x128xf32>
    %add3A_585 = arith.constant 0.000000e+00 : f32
    %add3A_586 = vector.broadcast %add3A_585 : f32 to vector<32x128xf32>
    %add3A_587 = arith.addf %sub3A, %add3A_586 : vector<32x128xf32>
    %mul3A_588 = arith.mulf %convert_element_type3A_584, %add3A_587 : vector<32x128xf32>
    %add3A_589 = arith.addf %broadcast_in_dim3A_579, %mul3A_588 : vector<32x128xf32>
    %eq3A_590 = arith.constant 1 : i32
    %eq3A_591 = vector.broadcast %eq3A_590 : i32 to vector<32x128xi32>
    %eq3A_592 = arith.cmpi eq, %get3A_1, %eq3A_591 : vector<32x128xi32>
    %convert_element_type3A_593 = arith.extui %eq3A_592 : vector<32x128xi1> to vector<32x128xi32>
    %convert_element_type3A_594 = arith.sitofp %convert_element_type3A_593 : vector<32x128xi32> to vector<32x128xf32>
    %convert_element_type3A_595 = arith.sitofp %add3A_175 : i32 to f32
    %add3A_596 = vector.broadcast %convert_element_type3A_595 : f32 to vector<32x128xf32>
    %add3A_597 = arith.addf %sub3A_33, %add3A_596 : vector<32x128xf32>
    %mul3A_598 = arith.mulf %convert_element_type3A_594, %add3A_597 : vector<32x128xf32>
    %add3A_599 = arith.addf %add3A_589, %mul3A_598 : vector<32x128xf32>
    %eq3A_600 = arith.constant 2 : i32
    %eq3A_601 = vector.broadcast %eq3A_600 : i32 to vector<32x128xi32>
    %eq3A_602 = arith.cmpi eq, %get3A_1, %eq3A_601 : vector<32x128xi32>
    %convert_element_type3A_603 = arith.extui %eq3A_602 : vector<32x128xi1> to vector<32x128xi32>
    %convert_element_type3A_604 = arith.sitofp %convert_element_type3A_603 : vector<32x128xi32> to vector<32x128xf32>
    %convert_element_type3A_605 = arith.sitofp %add3A_229 : i32 to f32
    %add3A_606 = vector.broadcast %convert_element_type3A_605 : f32 to vector<32x128xf32>
    %add3A_607 = arith.addf %sub3A_52, %add3A_606 : vector<32x128xf32>
    %mul3A_608 = arith.mulf %convert_element_type3A_604, %add3A_607 : vector<32x128xf32>
    %add3A_609 = arith.addf %add3A_599, %mul3A_608 : vector<32x128xf32>
    %eq3A_610 = arith.constant 3 : i32
    %eq3A_611 = vector.broadcast %eq3A_610 : i32 to vector<32x128xi32>
    %eq3A_612 = arith.cmpi eq, %get3A_1, %eq3A_611 : vector<32x128xi32>
    %convert_element_type3A_613 = arith.extui %eq3A_612 : vector<32x128xi1> to vector<32x128xi32>
    %convert_element_type3A_614 = arith.sitofp %convert_element_type3A_613 : vector<32x128xi32> to vector<32x128xf32>
    %convert_element_type3A_615 = arith.sitofp %add3A_283 : i32 to f32
    %add3A_616 = vector.broadcast %convert_element_type3A_615 : f32 to vector<32x128xf32>
    %add3A_617 = arith.addf %sub3A_71, %add3A_616 : vector<32x128xf32>
    %mul3A_618 = arith.mulf %convert_element_type3A_614, %add3A_617 : vector<32x128xf32>
    %add3A_619 = arith.addf %add3A_609, %mul3A_618 : vector<32x128xf32>
    %eq3A_620 = arith.constant 4 : i32
    %eq3A_621 = vector.broadcast %eq3A_620 : i32 to vector<32x128xi32>
    %eq3A_622 = arith.cmpi eq, %get3A_1, %eq3A_621 : vector<32x128xi32>
    %convert_element_type3A_623 = arith.extui %eq3A_622 : vector<32x128xi1> to vector<32x128xi32>
    %convert_element_type3A_624 = arith.sitofp %convert_element_type3A_623 : vector<32x128xi32> to vector<32x128xf32>
    %convert_element_type3A_625 = arith.sitofp %add3A_337 : i32 to f32
    %add3A_626 = vector.broadcast %convert_element_type3A_625 : f32 to vector<32x128xf32>
    %add3A_627 = arith.addf %sub3A_90, %add3A_626 : vector<32x128xf32>
    %mul3A_628 = arith.mulf %convert_element_type3A_624, %add3A_627 : vector<32x128xf32>
    %add3A_629 = arith.addf %add3A_619, %mul3A_628 : vector<32x128xf32>
    %eq3A_630 = arith.constant 5 : i32
    %eq3A_631 = vector.broadcast %eq3A_630 : i32 to vector<32x128xi32>
    %eq3A_632 = arith.cmpi eq, %get3A_1, %eq3A_631 : vector<32x128xi32>
    %convert_element_type3A_633 = arith.extui %eq3A_632 : vector<32x128xi1> to vector<32x128xi32>
    %convert_element_type3A_634 = arith.sitofp %convert_element_type3A_633 : vector<32x128xi32> to vector<32x128xf32>
    %convert_element_type3A_635 = arith.sitofp %add3A_391 : i32 to f32
    %add3A_636 = vector.broadcast %convert_element_type3A_635 : f32 to vector<32x128xf32>
    %add3A_637 = arith.addf %sub3A_109, %add3A_636 : vector<32x128xf32>
    %mul3A_638 = arith.mulf %convert_element_type3A_634, %add3A_637 : vector<32x128xf32>
    %add3A_639 = arith.addf %add3A_629, %mul3A_638 : vector<32x128xf32>
    %eq3A_640 = arith.constant 6 : i32
    %eq3A_641 = vector.broadcast %eq3A_640 : i32 to vector<32x128xi32>
    %eq3A_642 = arith.cmpi eq, %get3A_1, %eq3A_641 : vector<32x128xi32>
    %convert_element_type3A_643 = arith.extui %eq3A_642 : vector<32x128xi1> to vector<32x128xi32>
    %convert_element_type3A_644 = arith.sitofp %convert_element_type3A_643 : vector<32x128xi32> to vector<32x128xf32>
    %convert_element_type3A_645 = arith.sitofp %add3A_445 : i32 to f32
    %add3A_646 = vector.broadcast %convert_element_type3A_645 : f32 to vector<32x128xf32>
    %add3A_647 = arith.addf %sub3A_128, %add3A_646 : vector<32x128xf32>
    %mul3A_648 = arith.mulf %convert_element_type3A_644, %add3A_647 : vector<32x128xf32>
    %add3A_649 = arith.addf %add3A_639, %mul3A_648 : vector<32x128xf32>
    %eq3A_650 = arith.constant 7 : i32
    %eq3A_651 = vector.broadcast %eq3A_650 : i32 to vector<32x128xi32>
    %eq3A_652 = arith.cmpi eq, %get3A_1, %eq3A_651 : vector<32x128xi32>
    %convert_element_type3A_653 = arith.extui %eq3A_652 : vector<32x128xi1> to vector<32x128xi32>
    %convert_element_type3A_654 = arith.sitofp %convert_element_type3A_653 : vector<32x128xi32> to vector<32x128xf32>
    %convert_element_type3A_655 = arith.sitofp %add3A_499 : i32 to f32
    %add3A_656 = vector.broadcast %convert_element_type3A_655 : f32 to vector<32x128xf32>
    %add3A_657 = arith.addf %sub3A_147, %add3A_656 : vector<32x128xf32>
    %mul3A_658 = arith.mulf %convert_element_type3A_654, %add3A_657 : vector<32x128xf32>
    %add3A_659 = arith.addf %add3A_649, %mul3A_658 : vector<32x128xf32>
    %convert_element_type3A_660 = arith.fptosi %add3A_659 : vector<32x128xf32> to vector<32x128xi32>
    %swap3A = arith.constant 0 : index
    %swap3A_661 = arith.constant 0 : index
    %swap3A_662 = vector.load %arg2[%swap3A, %swap3A_661] : memref<32x128xi32, #tpu.memory_space<vmem>>, vector<32x128xi32>
    tpu.vector_store %arg2[%swap3A, %swap3A_661], %convert_element_type3A_660 {strides = array<i32>} : memref<32x128xi32, #tpu.memory_space<vmem>>, vector<32x128xi32>,
    %iota3A_663 = tpu.iota {dimensions = array<i32: 1>} : vector<8x128xi32>
    %broadcast_in_dim3A_664 = arith.constant 0 : i32
    %broadcast_in_dim3A_665 = vector.broadcast %broadcast_in_dim3A_664 : i32 to vector<8x128xi32>
    %ge3A = vector.broadcast %select_n3A_199 : i32 to vector<8x128xi32>
    %ge3A_666 = arith.cmpi sge, %iota3A_663, %ge3A : vector<8x128xi32>
    %convert_element_type3A_667 = arith.extui %ge3A_666 : vector<8x128xi1> to vector<8x128xi32>
    %add3A_668 = arith.addi %broadcast_in_dim3A_665, %convert_element_type3A_667 : vector<8x128xi32>
    %ge3A_669 = vector.broadcast %select_n3A_253 : i32 to vector<8x128xi32>
    %ge3A_670 = arith.cmpi sge, %iota3A_663, %ge3A_669 : vector<8x128xi32>
    %convert_element_type3A_671 = arith.extui %ge3A_670 : vector<8x128xi1> to vector<8x128xi32>
    %add3A_672 = arith.addi %add3A_668, %convert_element_type3A_671 : vector<8x128xi32>
    %ge3A_673 = vector.broadcast %select_n3A_307 : i32 to vector<8x128xi32>
    %ge3A_674 = arith.cmpi sge, %iota3A_663, %ge3A_673 : vector<8x128xi32>
    %convert_element_type3A_675 = arith.extui %ge3A_674 : vector<8x128xi1> to vector<8x128xi32>
    %add3A_676 = arith.addi %add3A_672, %convert_element_type3A_675 : vector<8x128xi32>
    %ge3A_677 = vector.broadcast %select_n3A_361 : i32 to vector<8x128xi32>
    %ge3A_678 = arith.cmpi sge, %iota3A_663, %ge3A_677 : vector<8x128xi32>
    %convert_element_type3A_679 = arith.extui %ge3A_678 : vector<8x128xi1> to vector<8x128xi32>
    %add3A_680 = arith.addi %add3A_676, %convert_element_type3A_679 : vector<8x128xi32>
    %ge3A_681 = vector.broadcast %select_n3A_415 : i32 to vector<8x128xi32>
    %ge3A_682 = arith.cmpi sge, %iota3A_663, %ge3A_681 : vector<8x128xi32>
    %convert_element_type3A_683 = arith.extui %ge3A_682 : vector<8x128xi1> to vector<8x128xi32>
    %add3A_684 = arith.addi %add3A_680, %convert_element_type3A_683 : vector<8x128xi32>
    %ge3A_685 = vector.broadcast %select_n3A_469 : i32 to vector<8x128xi32>
    %ge3A_686 = arith.cmpi sge, %iota3A_663, %ge3A_685 : vector<8x128xi32>
    %convert_element_type3A_687 = arith.extui %ge3A_686 : vector<8x128xi1> to vector<8x128xi32>
    %add3A_688 = arith.addi %add3A_684, %convert_element_type3A_687 : vector<8x128xi32>
    %ge3A_689 = vector.broadcast %select_n3A_523 : i32 to vector<8x128xi32>
    %ge3A_690 = arith.cmpi sge, %iota3A_663, %ge3A_689 : vector<8x128xi32>
    %convert_element_type3A_691 = arith.extui %ge3A_690 : vector<8x128xi1> to vector<8x128xi32>
    %add3A_692 = arith.addi %add3A_688, %convert_element_type3A_691 : vector<8x128xi32>
    %ge3A_693 = vector.broadcast %select_n3A_577 : i32 to vector<8x128xi32>
    %ge3A_694 = arith.cmpi sge, %iota3A_663, %ge3A_693 : vector<8x128xi32>
    %convert_element_type3A_695 = arith.extui %ge3A_694 : vector<8x128xi1> to vector<8x128xi32>
    %add3A_696 = arith.addi %add3A_692, %convert_element_type3A_695 : vector<8x128xi32>
    %swap3A_697 = arith.constant 0 : index
    %swap3A_698 = arith.constant 0 : index
    %swap3A_699 = vector.load %arg3[%swap3A_697, %swap3A_698] : memref<8x128xi32, #tpu.memory_space<vmem>>, vector<8x128xi32>
    tpu.vector_store %arg3[%swap3A_697, %swap3A_698], %add3A_696 {strides = array<i32>} : memref<8x128xi32, #tpu.memory_space<vmem>>, vector<8x128xi32>,
    return
  }
  func.func @transform_0(%arg0: i32) -> (i32, i32) {
    %c0_i32 = arith.constant 0 : i32
    %c0_i32_0 = arith.constant 0 : i32
    %c0_i32_1 = arith.constant 0 : i32
    return %c0_i32, %c0_i32_0 : i32, i32
  }
  func.func @transform_1(%arg0: i32) -> (i32, i32) {
    %c0_i32 = arith.constant 0 : i32
    %c0_i32_0 = arith.constant 0 : i32
    %c0_i32_1 = arith.constant 0 : i32
    return %c0_i32, %c0_i32_0 : i32, i32
  }
  func.func @transform_2(%arg0: i32) -> (i32, i32) {
    %c0_i32 = arith.constant 0 : i32
    %c0_i32_0 = arith.constant 0 : i32
    %c0_i32_1 = arith.constant 0 : i32
    return %c0_i32, %c0_i32_0 : i32, i32
  }
}

module attributes {stable_mosaic.version = 14 : i64} {
  func.func @_router_block(%arg0: i32, %arg1: memref<256x768xf32, #tpu.memory_space<vmem>>, %arg2: memref<8x768xf32, #tpu.memory_space<vmem>>, %arg3: memref<256x8xi32, #tpu.memory_space<vmem>>, %arg4: memref<256x8xf32, #tpu.memory_space<vmem>>) attributes {dimension_semantics = [#tpu.dimension_semantics<arbitrary>], iteration_bounds = array<i64: 8>, scalar_prefetch = 0 : i64, scratch_operands = 0 : i64, tpu.core_type = #tpu.core_type<tc>, window_params = [{transform_indices = @transform_0, window_bounds = array<i64: 256, 768>}, {pipeline_mode = #tpu.pipeline_mode<synchronous>, transform_indices = @transform_1, window_bounds = array<i64: 8, 768>}, {transform_indices = @transform_2, window_bounds = array<i64: 256, 8>}, {transform_indices = @transform_3, window_bounds = array<i64: 256, 8>}]} {
    %get3A = arith.constant 0 : index
    %get3A_0 = arith.constant 0 : index
    %get3A_1 = vector.load %arg1[%get3A, %get3A_0] : memref<256x768xf32, #tpu.memory_space<vmem>>, vector<256x768xf32>
    %get3A_2 = arith.constant 0 : index
    %get3A_3 = arith.constant 0 : index
    %get3A_4 = vector.load %arg2[%get3A_2, %get3A_3] : memref<8x768xf32, #tpu.memory_space<vmem>>, vector<8x768xf32>
    %dot_general3A = arith.constant dense<0.000000e+00> : vector<256x8xf32>
    %dot_general3A_5 = tpu.matmul %get3A_1, %get3A_4, %dot_general3A {dimension_numbers = #tpu.dot_dimension_numbers<[1], [1], [0], [0], [0, 0, 1, 0], [], []>, transpose_lhs_hint = false} : vector<256x768xf32>, vector<8x768xf32>, vector<256x8xf32> -> vector<256x8xf32>
    %reduce_max3A = arith.constant dense<0xFF800000> : vector<256xf32>
    %reduce_max3A_6 = vector.multi_reduction <maximumf>, %dot_general3A_5, %reduce_max3A [1] : vector<256x8xf32> to vector<256xf32>
    %broadcast_in_dim3A = vector.shape_cast %reduce_max3A_6 : vector<256xf32> to vector<256x1xf32>
    %sub3A = vector.broadcast %broadcast_in_dim3A : vector<256x1xf32> to vector<256x8xf32>
    %sub3A_7 = arith.subf %dot_general3A_5, %sub3A : vector<256x8xf32>
    %exp3A = math.exp %sub3A_7 : vector<256x8xf32>
    %reduce_sum3A = arith.constant dense<0.000000e+00> : vector<256xf32>
    %reduce_sum3A_8 = vector.multi_reduction <add>, %exp3A, %reduce_sum3A [1] : vector<256x8xf32> to vector<256xf32>
    %broadcast_in_dim3A_9 = vector.shape_cast %reduce_sum3A_8 : vector<256xf32> to vector<256x1xf32>
    %div3A = vector.broadcast %broadcast_in_dim3A_9 : vector<256x1xf32> to vector<256x8xf32>
    %div3A_10 = arith.divf %exp3A, %div3A : vector<256x8xf32>
    %iota3A = tpu.iota {dimensions = array<i32: 1>} : vector<256x8xi32>
    %reduce_max3A_11 = arith.constant dense<0xFF800000> : vector<256xf32>
    %reduce_max3A_12 = vector.multi_reduction <maximumf>, %div3A_10, %reduce_max3A_11 [1] : vector<256x8xf32> to vector<256xf32>
    %broadcast_in_dim3A_13 = vector.shape_cast %reduce_max3A_12 : vector<256xf32> to vector<256x1xf32>
    %eq3A = vector.broadcast %broadcast_in_dim3A_13 : vector<256x1xf32> to vector<256x8xf32>
    %eq3A_14 = arith.cmpf oeq, %div3A_10, %eq3A : vector<256x8xf32>
    %jit3A = arith.constant 8 : i32
    %broadcast_in_dim3A_15 = vector.broadcast %jit3A : i32 to vector<256x8xi32>
    %select_n3A = arith.select %eq3A_14, %iota3A, %broadcast_in_dim3A_15 : vector<256x8xi1>, vector<256x8xi32>
    %reduce_min3A = arith.constant dense<2147483647> : vector<256xi32>
    %reduce_min3A_16 = vector.multi_reduction <minsi>, %select_n3A, %reduce_min3A [1] : vector<256x8xi32> to vector<256xi32>
    %broadcast_in_dim3A_17 = vector.shape_cast %reduce_min3A_16 : vector<256xi32> to vector<256x1xi32>
    %eq3A_18 = vector.broadcast %broadcast_in_dim3A_17 : vector<256x1xi32> to vector<256x8xi32>
    %eq3A_19 = arith.cmpi eq, %iota3A, %eq3A_18 : vector<256x8xi32>
    %jit3A_20 = arith.constant 0xFF800000 : f32
    %broadcast_in_dim3A_21 = vector.broadcast %jit3A_20 : f32 to vector<256x8xf32>
    %select_n3A_22 = arith.select %eq3A_19, %broadcast_in_dim3A_21, %div3A_10 : vector<256x8xi1>, vector<256x8xf32>
    %reduce_max3A_23 = arith.constant dense<0xFF800000> : vector<256xf32>
    %reduce_max3A_24 = vector.multi_reduction <maximumf>, %select_n3A_22, %reduce_max3A_23 [1] : vector<256x8xf32> to vector<256xf32>
    %broadcast_in_dim3A_25 = vector.shape_cast %reduce_max3A_24 : vector<256xf32> to vector<256x1xf32>
    %eq3A_26 = vector.broadcast %broadcast_in_dim3A_25 : vector<256x1xf32> to vector<256x8xf32>
    %eq3A_27 = arith.cmpf oeq, %select_n3A_22, %eq3A_26 : vector<256x8xf32>
    %jit3A_28 = arith.constant 8 : i32
    %broadcast_in_dim3A_29 = vector.broadcast %jit3A_28 : i32 to vector<256x8xi32>
    %select_n3A_30 = arith.select %eq3A_27, %iota3A, %broadcast_in_dim3A_29 : vector<256x8xi1>, vector<256x8xi32>
    %reduce_min3A_31 = arith.constant dense<2147483647> : vector<256xi32>
    %reduce_min3A_32 = vector.multi_reduction <minsi>, %select_n3A_30, %reduce_min3A_31 [1] : vector<256x8xi32> to vector<256xi32>
    %broadcast_in_dim3A_33 = vector.shape_cast %reduce_min3A_32 : vector<256xi32> to vector<256x1xi32>
    %add3A = arith.addf %broadcast_in_dim3A_13, %broadcast_in_dim3A_25 : vector<256x1xf32>
    %eq3A_34 = arith.constant 0 : i32
    %eq3A_35 = vector.broadcast %eq3A_34 : i32 to vector<256x8xi32>
    %eq3A_36 = arith.cmpi eq, %iota3A, %eq3A_35 : vector<256x8xi32>
    %jit3A_37 = arith.constant 0 : i32
    %broadcast_in_dim3A_38 = vector.shape_cast %broadcast_in_dim3A_17 : vector<256x1xi32> to vector<256x1xi32>
    %broadcast_in_dim3A_39 = vector.broadcast %broadcast_in_dim3A_38 : vector<256x1xi32> to vector<256x8xi32>
    %broadcast_in_dim3A_40 = vector.broadcast %jit3A_37 : i32 to vector<256x8xi32>
    %select_n3A_41 = arith.select %eq3A_36, %broadcast_in_dim3A_39, %broadcast_in_dim3A_40 : vector<256x8xi1>, vector<256x8xi32>
    %eq3A_42 = arith.constant 1 : i32
    %eq3A_43 = vector.broadcast %eq3A_42 : i32 to vector<256x8xi32>
    %eq3A_44 = arith.cmpi eq, %iota3A, %eq3A_43 : vector<256x8xi32>
    %jit3A_45 = arith.constant 0 : i32
    %broadcast_in_dim3A_46 = vector.shape_cast %broadcast_in_dim3A_33 : vector<256x1xi32> to vector<256x1xi32>
    %broadcast_in_dim3A_47 = vector.broadcast %broadcast_in_dim3A_46 : vector<256x1xi32> to vector<256x8xi32>
    %broadcast_in_dim3A_48 = vector.broadcast %jit3A_45 : i32 to vector<256x8xi32>
    %select_n3A_49 = arith.select %eq3A_44, %broadcast_in_dim3A_47, %broadcast_in_dim3A_48 : vector<256x8xi1>, vector<256x8xi32>
    %add3A_50 = arith.addi %select_n3A_41, %select_n3A_49 : vector<256x8xi32>
    %swap3A = arith.constant 0 : index
    %swap3A_51 = arith.constant 0 : index
    %swap3A_52 = vector.load %arg3[%swap3A, %swap3A_51] : memref<256x8xi32, #tpu.memory_space<vmem>>, vector<256x8xi32>
    tpu.vector_store %arg3[%swap3A, %swap3A_51], %add3A_50 {strides = array<i32>} : memref<256x8xi32, #tpu.memory_space<vmem>>, vector<256x8xi32>,
    %eq3A_53 = arith.constant 0 : i32
    %eq3A_54 = vector.broadcast %eq3A_53 : i32 to vector<256x8xi32>
    %eq3A_55 = arith.cmpi eq, %iota3A, %eq3A_54 : vector<256x8xi32>
    %div3A_56 = arith.divf %broadcast_in_dim3A_13, %add3A : vector<256x1xf32>
    %jit3A_57 = arith.constant 0.000000e+00 : f32
    %broadcast_in_dim3A_58 = vector.shape_cast %div3A_56 : vector<256x1xf32> to vector<256x1xf32>
    %broadcast_in_dim3A_59 = vector.broadcast %broadcast_in_dim3A_58 : vector<256x1xf32> to vector<256x8xf32>
    %broadcast_in_dim3A_60 = vector.broadcast %jit3A_57 : f32 to vector<256x8xf32>
    %select_n3A_61 = arith.select %eq3A_55, %broadcast_in_dim3A_59, %broadcast_in_dim3A_60 : vector<256x8xi1>, vector<256x8xf32>
    %eq3A_62 = arith.constant 1 : i32
    %eq3A_63 = vector.broadcast %eq3A_62 : i32 to vector<256x8xi32>
    %eq3A_64 = arith.cmpi eq, %iota3A, %eq3A_63 : vector<256x8xi32>
    %div3A_65 = arith.divf %broadcast_in_dim3A_25, %add3A : vector<256x1xf32>
    %jit3A_66 = arith.constant 0.000000e+00 : f32
    %broadcast_in_dim3A_67 = vector.shape_cast %div3A_65 : vector<256x1xf32> to vector<256x1xf32>
    %broadcast_in_dim3A_68 = vector.broadcast %broadcast_in_dim3A_67 : vector<256x1xf32> to vector<256x8xf32>
    %broadcast_in_dim3A_69 = vector.broadcast %jit3A_66 : f32 to vector<256x8xf32>
    %select_n3A_70 = arith.select %eq3A_64, %broadcast_in_dim3A_68, %broadcast_in_dim3A_69 : vector<256x8xi1>, vector<256x8xf32>
    %add3A_71 = arith.addf %select_n3A_61, %select_n3A_70 : vector<256x8xf32>
    %swap3A_72 = arith.constant 0 : index
    %swap3A_73 = arith.constant 0 : index
    %swap3A_74 = vector.load %arg4[%swap3A_72, %swap3A_73] : memref<256x8xf32, #tpu.memory_space<vmem>>, vector<256x8xf32>
    tpu.vector_store %arg4[%swap3A_72, %swap3A_73], %add3A_71 {strides = array<i32>} : memref<256x8xf32, #tpu.memory_space<vmem>>, vector<256x8xf32>,
    return
  }
  func.func @transform_0(%arg0: i32) -> (i32, i32) {
    %c0_i32 = arith.constant 0 : i32
    %c0_i32_0 = arith.constant 0 : i32
    return %arg0, %c0_i32 : i32, i32
  }
  func.func @transform_1(%arg0: i32) -> (i32, i32) {
    %c0_i32 = arith.constant 0 : i32
    %c0_i32_0 = arith.constant 0 : i32
    %c0_i32_1 = arith.constant 0 : i32
    return %c0_i32, %c0_i32_0 : i32, i32
  }
  func.func @transform_2(%arg0: i32) -> (i32, i32) {
    %c0_i32 = arith.constant 0 : i32
    %c0_i32_0 = arith.constant 0 : i32
    return %arg0, %c0_i32 : i32, i32
  }
  func.func @transform_3(%arg0: i32) -> (i32, i32) {
    %c0_i32 = arith.constant 0 : i32
    %c0_i32_0 = arith.constant 0 : i32
    return %arg0, %c0_i32 : i32, i32
  }
}

module attributes {stable_mosaic.version = 14 : i64} {
  func.func @_ffn_block(%arg0: i32, %arg1: memref<23xi32, #tpu.memory_space<smem>>, %arg2: memref<256x768xf32, #tpu.memory_space<vmem>>, %arg3: memref<1x1x256xf32, #tpu.memory_space<vmem>>, %arg4: memref<1x384x768xf32, #tpu.memory_space<vmem>>, %arg5: memref<1x384x768xf32, #tpu.memory_space<vmem>>, %arg6: memref<1x768x384xf32, #tpu.memory_space<vmem>>, %arg7: memref<256x768xf32, #tpu.memory_space<vmem>>) attributes {dimension_semantics = [#tpu.dimension_semantics<arbitrary>], iteration_bounds = array<i64: 23>, scalar_prefetch = 1 : i64, scratch_operands = 0 : i64, tpu.core_type = #tpu.core_type<tc>, window_params = [{transform_indices = @transform_0, window_bounds = array<i64: 256, 768>}, {transform_indices = @transform_1, window_bounds = array<i64: 1, 1, 256>}, {transform_indices = @transform_2, window_bounds = array<i64: 1, 384, 768>}, {transform_indices = @transform_3, window_bounds = array<i64: 1, 384, 768>}, {transform_indices = @transform_4, window_bounds = array<i64: 1, 768, 384>}, {transform_indices = @transform_5, window_bounds = array<i64: 256, 768>}]} {
    %get3A = arith.index_cast %arg0 : i32 to index
    %get3A_0 = memref.load %arg1[%get3A] : memref<23xi32, #tpu.memory_space<smem>>
    %lt3A = arith.constant 8 : i32
    %lt3A_1 = arith.cmpi slt, %get3A_0, %lt3A : i32
    %convert_element_type3A = arith.extui %lt3A_1 : i1 to i32
    %cond3A = arith.constant 0 : i32
    %cond3A_2 = arith.cmpi ne, %convert_element_type3A, %cond3A : i32
    scf.if %cond3A_2 {
      %get3A_3 = arith.constant 0 : index
      %get3A_4 = arith.constant 0 : index
      %get3A_5 = vector.load %arg2[%get3A_3, %get3A_4] : memref<256x768xf32, #tpu.memory_space<vmem>>, vector<256x768xf32>
      %convert_element_type3A_6 = arith.truncf %get3A_5 : vector<256x768xf32> to vector<256x768xbf16>
      %get3A_7 = arith.constant 0 : index
      %get3A_8 = arith.constant 0 : index
      %get3A_9 = arith.constant 0 : index
      %get3A_10 = vector.load %arg4[%get3A_7, %get3A_8, %get3A_9] : memref<1x384x768xf32, #tpu.memory_space<vmem>>, vector<1x384x768xf32>
      %get3A_11 = vector.shape_cast %get3A_10 : vector<1x384x768xf32> to vector<384x768xf32>
      %convert_element_type3A_12 = arith.truncf %get3A_11 : vector<384x768xf32> to vector<384x768xbf16>
      %dot_general3A = arith.constant dense<0.000000e+00> : vector<256x384xf32>
      %dot_general3A_13 = tpu.matmul %convert_element_type3A_6, %convert_element_type3A_12, %dot_general3A {dimension_numbers = #tpu.dot_dimension_numbers<[1], [1], [0], [0], [0, 0, 1, 0], [], []>, transpose_lhs_hint = false} : vector<256x768xbf16>, vector<384x768xbf16>, vector<256x384xf32> -> vector<256x384xf32>
      %get3A_14 = arith.constant 0 : index
      %get3A_15 = arith.constant 0 : index
      %get3A_16 = arith.constant 0 : index
      %get3A_17 = vector.load %arg5[%get3A_14, %get3A_15, %get3A_16] : memref<1x384x768xf32, #tpu.memory_space<vmem>>, vector<1x384x768xf32>
      %get3A_18 = vector.shape_cast %get3A_17 : vector<1x384x768xf32> to vector<384x768xf32>
      %convert_element_type3A_19 = arith.truncf %get3A_18 : vector<384x768xf32> to vector<384x768xbf16>
      %dot_general3A_20 = arith.constant dense<0.000000e+00> : vector<256x384xf32>
      %dot_general3A_21 = tpu.matmul %convert_element_type3A_6, %convert_element_type3A_19, %dot_general3A_20 {dimension_numbers = #tpu.dot_dimension_numbers<[1], [1], [0], [0], [0, 0, 1, 0], [], []>, transpose_lhs_hint = false} : vector<256x768xbf16>, vector<384x768xbf16>, vector<256x384xf32> -> vector<256x384xf32>
      %neg3A = arith.constant 0.000000e+00 : f32
      %neg3A_22 = vector.broadcast %neg3A : f32 to vector<256x384xf32>
      %neg3A_23 = arith.subf %neg3A_22, %dot_general3A_13 : vector<256x384xf32>
      %exp3A = math.exp %neg3A_23 : vector<256x384xf32>
      %add3A = arith.constant 1.000000e+00 : f32
      %add3A_24 = vector.broadcast %add3A : f32 to vector<256x384xf32>
      %add3A_25 = arith.addf %add3A_24, %exp3A : vector<256x384xf32>
      %div3A = arith.divf %dot_general3A_13, %add3A_25 : vector<256x384xf32>
      %mul3A = arith.mulf %div3A, %dot_general3A_21 : vector<256x384xf32>
      %convert_element_type3A_26 = arith.truncf %mul3A : vector<256x384xf32> to vector<256x384xbf16>
      %get3A_27 = arith.constant 0 : index
      %get3A_28 = arith.constant 0 : index
      %get3A_29 = arith.constant 0 : index
      %get3A_30 = vector.load %arg6[%get3A_27, %get3A_28, %get3A_29] : memref<1x768x384xf32, #tpu.memory_space<vmem>>, vector<1x768x384xf32>
      %get3A_31 = vector.shape_cast %get3A_30 : vector<1x768x384xf32> to vector<768x384xf32>
      %convert_element_type3A_32 = arith.truncf %get3A_31 : vector<768x384xf32> to vector<768x384xbf16>
      %dot_general3A_33 = arith.constant dense<0.000000e+00> : vector<256x768xf32>
      %dot_general3A_34 = tpu.matmul %convert_element_type3A_26, %convert_element_type3A_32, %dot_general3A_33 {dimension_numbers = #tpu.dot_dimension_numbers<[1], [1], [0], [0], [0, 0, 1, 0], [], []>, transpose_lhs_hint = false} : vector<256x384xbf16>, vector<768x384xbf16>, vector<256x768xf32> -> vector<256x768xf32>
      %get3A_35 = arith.constant 0 : index
      %get3A_36 = arith.constant 0 : index
      %get3A_37 = arith.constant 0 : index
      %get3A_38 = vector.load %arg3[%get3A_35, %get3A_36, %get3A_37] : memref<1x1x256xf32, #tpu.memory_space<vmem>>, vector<1x1x256xf32>
      %get3A_39 = vector.shape_cast %get3A_38 : vector<1x1x256xf32> to vector<256xf32>
      %reshape3A = vector.shape_cast %get3A_39 : vector<256xf32> to vector<256x1xf32>
      %mul3A_40 = vector.broadcast %reshape3A : vector<256x1xf32> to vector<256x768xf32>
      %mul3A_41 = arith.mulf %dot_general3A_34, %mul3A_40 : vector<256x768xf32>
      %swap3A = arith.constant 0 : index
      %swap3A_42 = arith.constant 0 : index
      %swap3A_43 = vector.load %arg7[%swap3A, %swap3A_42] : memref<256x768xf32, #tpu.memory_space<vmem>>, vector<256x768xf32>
      tpu.vector_store %arg7[%swap3A, %swap3A_42], %mul3A_41 {strides = array<i32>} : memref<256x768xf32, #tpu.memory_space<vmem>>, vector<256x768xf32>,
    } else {
    }
    return
  }
  func.func @transform_0(%arg0: i32, %arg1: memref<23xi32, #tpu.memory_space<smem>>) -> (i32, i32) {
    %c0_i32 = arith.constant 0 : i32
    %c0_i32_0 = arith.constant 0 : i32
    return %arg0, %c0_i32 : i32, i32
  }
  func.func @transform_1(%arg0: i32, %arg1: memref<23xi32, #tpu.memory_space<smem>>) -> (i32, i32, i32) {
    %c0_i32 = arith.constant 0 : i32
    %c0_i32_0 = arith.constant 0 : i32
    %c0_i32_1 = arith.constant 0 : i32
    return %arg0, %c0_i32, %c0_i32_0 : i32, i32, i32
  }
  func.func @transform_2(%arg0: i32, %arg1: memref<23xi32, #tpu.memory_space<smem>>) -> (i32, i32, i32) {
    %get3A = arith.index_cast %arg0 : i32 to index
    %get3A_0 = memref.load %arg1[%get3A] : memref<23xi32, #tpu.memory_space<smem>>
    %min3A = arith.constant 7 : i32
    %min3A_1 = arith.minsi %get3A_0, %min3A : i32
    %c0_i32 = arith.constant 0 : i32
    %c0_i32_2 = arith.constant 0 : i32
    %c0_i32_3 = arith.constant 0 : i32
    return %min3A_1, %c0_i32, %c0_i32_2 : i32, i32, i32
  }
  func.func @transform_3(%arg0: i32, %arg1: memref<23xi32, #tpu.memory_space<smem>>) -> (i32, i32, i32) {
    %get3A = arith.index_cast %arg0 : i32 to index
    %get3A_0 = memref.load %arg1[%get3A] : memref<23xi32, #tpu.memory_space<smem>>
    %min3A = arith.constant 7 : i32
    %min3A_1 = arith.minsi %get3A_0, %min3A : i32
    %c0_i32 = arith.constant 0 : i32
    %c0_i32_2 = arith.constant 0 : i32
    %c0_i32_3 = arith.constant 0 : i32
    return %min3A_1, %c0_i32, %c0_i32_2 : i32, i32, i32
  }
  func.func @transform_4(%arg0: i32, %arg1: memref<23xi32, #tpu.memory_space<smem>>) -> (i32, i32, i32) {
    %get3A = arith.index_cast %arg0 : i32 to index
    %get3A_0 = memref.load %arg1[%get3A] : memref<23xi32, #tpu.memory_space<smem>>
    %min3A = arith.constant 7 : i32
    %min3A_1 = arith.minsi %get3A_0, %min3A : i32
    %c0_i32 = arith.constant 0 : i32
    %c0_i32_2 = arith.constant 0 : i32
    %c0_i32_3 = arith.constant 0 : i32
    return %min3A_1, %c0_i32, %c0_i32_2 : i32, i32, i32
  }
  func.func @transform_5(%arg0: i32, %arg1: memref<23xi32, #tpu.memory_space<smem>>) -> (i32, i32) {
    %c0_i32 = arith.constant 0 : i32
    %c0_i32_0 = arith.constant 0 : i32
    return %arg0, %c0_i32 : i32, i32
  }
}

</mosaic_0001>

<sc_bundles>
// kernel: _moe.6.cloned.1.call-start
scs
__scs_entry_jumppad:
0x0: {  	(pc) =	sbr.rel $0x88, $3  }
0x1: {  	(tag) =	ssettag $0x0;
	lr =	simm.s32 $0x1  }
0x2: {  	[smem:$0x3F9C] =	sst lr;
	_ =	strace $0xD0000000  }
0x3: {  	_ = 	snop  }
0x4: {  	_ = 	snop  }
0x5: {  	_ = 	snop  }
0x6: {  	_ = 	snop  }
0x7: {  	_ = 	snop  }
__scs_overlays_trampoline_lowered:
0x8: {  	[smem:$0x3FAB] =	sst s0  }
0x9: {  	[smem:$0x3FAC] =	sst s1  }
0xa: {  	[smem:$0x3FAD] =	sst s2  }
0xb: {  	[smem:$0x3FAE] =	sst s3  }
0xc: {  	[smem:$0x3FAF] =	sst s4  }
0xd: {  	[smem:$0x3FB0] =	sst s5  }
0xe: {  	[smem:$0x3FB1] =	sst s6  }
0xf: {  	[smem:$0x3FB2] =	sst s7  }
0x10: {  	[smem:$0x3FB3] =	sst s8  }
0x11: {  	[smem:$0x3FB4] =	sst s9;
	s0 =	simm.s32 @!p0 $0x0  }
0x12: {  	s1 =	sld [smem:$0x3F9A];
	s0 =	simm.s32 @p0 $0x1  }
0x13: {  	[smem:$0x3FB5] =	sst s0;
	s0 =	simm.s32 @!p1 $0x0  }
0x14: {  	s2 =	sld [smem:$0x3F99];
	s0 =	simm.s32 @p1 $0x1  }
0x15: {  	[smem:$0x3FB6] =	sst s0;
	s0 =	simm.s32 @!p2 $0x0  }
0x16: {  	s3 =	sld [smem:$0x3FDB];
	s0 =	simm.s32 @p2 $0x1  }
0x17: {  	s4 =	simm.s32 $0x1BF5;
	[smem:$0x3FB8] =	sst s0  }
0x18: {  	s0 =	sld [smem:$0x3F9B];
	_ =	swait.ge [sflag:s4], $0x0  }
0x19: {  	s7 =	sld [smem:$0x3F9C]  }
0x1a: {  	s8 =	sadd.s32 $0xFFFFE003, lr  }
0x1b: {  	s9 =	sadd.s32 $0xFFFFFEF7, lr;
	s5 =	simm.s32 $0xFFFFFFFF;
	p2 =	slt.u32 s8, $0xFFFFF086  }
0x1c: {  	p1 =	slt.u32 s9, $0xF7A;
	s5 =	simm.s32 @!p2 $0x0  }
0x1d: {  	s5 =	simm.s32 @p1 $0x1;
	p0 =	seq.s32 s7, s2  }
0x1e: {  	s7 =	smul.u32 @!p0 $0xF7A, s2;
	p2 =	seq.s32 @!p0 s5, $0x0  }
0x1f: {  	s9 =	smul.u32 $0xF7A, s1;
	s8 =	simm.s32 @!p0 $0x1BF5;
	p2 =	por !p2, p0  }
0x20: {  	[sflag:s8] =	ssyncset.s32 @!p0 $0xFFFFF086;
	s6 =	sadd.s32 @!p0 s3, s7;
	s7 =	simm.s32 @!p0 $0x108  }
0x21: {  	s3 =	sadd.s32 s3, s9;
	s6 =	sadd.s32 @!p0 $0x88, s6;
	s7 =	simm.s32 @p2 $0x1082  }
0x22: {  	[simem:s7], [sflag:s8] =	dma.local @!p0 [hbm:s6], $0xF7A  }
0x23: {  	s9 =	sor.u32 $0xD0000000, s2;
	s6 =	simm.s32 $0x108;
	_ =	swait.ge @!p0 [sflag:s8], $0x0  }
0x24: {  	s3 =	sadd.s32 $0x88, s3;
	s6 =	simm.s32 @!p1 $0x1082;
	[sflag:s4] =	ssyncset.s32 $0xFFFFF086  }
0x25: {  	[simem:s6], [sflag:s4] =	dma.local [hbm:s3], $0xF7A  }
0x26: {  	[smem:$0x3F9C] =	sst s1;
	(tag) =	ssettag s2;
	_ =	strace s9  }
0x27: {  	s1 =	sld [smem:$0x3FAC]  }
0x28: {  	s2 =	sld [smem:$0x3FAD]  }
0x29: {  	s4 =	sld [smem:$0x3FAF]  }
0x2a: {  	p0 =	seq.s32 s5, $0x0;
	s5 =	sld [smem:$0x3FB0]  }
0x2b: {  	s6 =	sld [smem:$0x3FB1]  }
0x2c: {  	s7 =	sld [smem:$0x3FB2]  }
0x2d: {  	s3 =	simm.s32 $0x108;
	s8 =	sld [smem:$0x3FB3]  }
0x2e: {  	s3 =	simm.s32 @!p0 $0x1082;
	s9 =	sld [smem:$0x3FB4]  }
0x2f: {  	lr =	sadd.s32 s0, s3;
	s0 =	sld [smem:$0x3FAB]  }
0x30: {  	s3 =	sld [smem:$0x3FAE]  }
0x31: {  	[smem:$0x3FB7] =	sst s10  }
0x32: {  	s10 =	sld [smem:$0x3FB5];
	_ =	sdelay $0x3  }
0x33: {  	p0 =	seq.s32 s10, $0x1;
	s10 =	sld [smem:$0x3FB7];
	_ =	sdelay $0x3  }
0x34: {  	[smem:$0x3FB7] =	sst s10  }
0x35: {  	s10 =	sld [smem:$0x3FB6];
	_ =	sdelay $0x3  }
0x36: {  	p1 =	seq.s32 s10, $0x1;
	s10 =	sld [smem:$0x3FB7];
	_ =	sdelay $0x3  }
0x37: {  	[smem:$0x3FB7] =	sst s10  }
0x38: {  	s10 =	sld [smem:$0x3FB8]  }
0x39: {  	_ = 	snop;
	(pc) =	sbr.ind lr, $3  }
0x3a: {  	_ = 	snop  }
0x3b: {  	_ = 	snop  }
0x3c: {  	p2 =	seq.s32 s10, $0x1;
	s10 =	sld [smem:$0x3FB7]  }
0x3d: {  	_ =	shalt  }
0x3e: {  	_ =	shalt  }
0x3f: {  	_ =	shalt  }
0x40: {  	_ =	shalt  }
0x41: {  	_ =	shalt  }
0x42: {  	_ =	shalt  }
0x43: {  	_ =	shalt  }
0x44: {  	_ =	shalt  }
0x45: {  	_ =	shalt  }
0x46: {  	_ =	shalt  }
0x47: {  	_ =	shalt  }
0x48: {  	_ =	shalt  }
0x49: {  	_ =	shalt  }
0x4a: {  	_ =	shalt  }
0x4b: {  	_ =	shalt  }
0x4c: {  	_ =	shalt  }
0x4d: {  	_ =	shalt  }
0x4e: {  	_ =	shalt  }
0x4f: {  	_ =	shalt  }
0x50: {  	_ =	shalt  }
0x51: {  	_ =	shalt  }
0x52: {  	_ =	shalt  }
0x53: {  	_ =	shalt  }
0x54: {  	_ =	shalt  }
0x55: {  	_ =	shalt  }
0x56: {  	_ =	shalt  }
0x57: {  	_ =	shalt  }
0x58: {  	_ =	shalt  }
0x59: {  	_ =	shalt  }
0x5a: {  	_ =	shalt  }
0x5b: {  	_ =	shalt  }
0x5c: {  	_ =	shalt  }
0x5d: {  	_ =	shalt  }
0x5e: {  	_ =	shalt  }
0x5f: {  	_ =	shalt  }
0x60: {  	_ =	shalt  }
0x61: {  	_ =	shalt  }
0x62: {  	_ =	shalt  }
0x63: {  	_ =	shalt  }
0x64: {  	_ =	shalt  }
0x65: {  	_ =	shalt  }
0x66: {  	_ =	shalt  }
0x67: {  	_ =	shalt  }
0x68: {  	_ =	shalt  }
0x69: {  	_ =	shalt  }
0x6a: {  	_ =	shalt  }
0x6b: {  	_ =	shalt  }
0x6c: {  	_ =	shalt  }
0x6d: {  	_ =	shalt  }
0x6e: {  	_ =	shalt  }
0x6f: {  	_ =	shalt  }
0x70: {  	_ =	shalt  }
0x71: {  	_ =	shalt  }
0x72: {  	_ =	shalt  }
0x73: {  	_ =	shalt  }
0x74: {  	_ =	shalt  }
0x75: {  	_ =	shalt  }
0x76: {  	_ =	shalt  }
0x77: {  	_ =	shalt  }
0x78: {  	_ =	shalt  }
0x79: {  	_ =	shalt  }
0x7a: {  	_ =	shalt  }
0x7b: {  	_ =	shalt  }
0x7c: {  	_ =	shalt  }
0x7d: {  	_ =	shalt  }
0x7e: {  	_ =	shalt  }
0x7f: {  	_ =	shalt  }
0x80: {  	_ =	shalt  }
0x81: {  	_ =	shalt  }
0x82: {  	_ =	shalt  }
0x83: {  	_ =	shalt  }
0x84: {  	_ =	shalt  }
0x85: {  	_ =	shalt  }
0x86: {  	_ =	shalt  }
0x87: {  	_ =	shalt  }
.Lfunc_end0:
.L_simem_size_0:
called_computation_lowered:
.L_overlay_start_0:
0x88: {  	s2 =	sld [smem:$0x3FD9]  }
0x89: {  	s3 =	sld [smem:$0x3FFE];
	_ =	sdelay $0x1  }
0x8a: {  	s1 =	srdreg.scid  }
0x8b: {  	s0 =	sand.u32 $0x1, s1  }
0x8c: {  	s17 =	sshll.u32 s0, $0xA;
	s2 =	sadd.s32 s3, s2  }
0x8d: {  	s2 =	sadd.s32 s2, s17  }
0x8e: {  	[smem:$0x3FC3] =	sst s2  }
0x8f: {  	_ = 	snop  }
0x90: {  	s2 =	sld [smem:$0x3FC9]  }
0x91: {  	s18 =	sld [smem:$0x3FD0];
	(tm) =	ssettm $0x1  }
0x92: {  	s4 =	sld [smem:$0x3FFB];
	_ =	sdelay $0x3  }
0x93: {  	_ =	strace s4  }
0x94: {  	s4 =	sld [smem:$0x3FFC];
	_ =	sdelay $0x3  }
0x95: {  	_ =	strace s4  }
0x96: {  	s4 =	sld [smem:$0x3FFD];
	_ =	sdelay $0x3  }
0x97: {  	_ =	strace s4  }
0x98: {  	_ =	strace $0x8FFFFFFF  }
0x99: {  	s19 =	sld [smem:$0x3FDB];
	_ =	sdelay $0x1  }
0x9a: {  	s5 =	simm.s32 $_scs_section_size  }
0x9b: {  	s6 =	simm.s32 $_size__tile_overlayer_lowered;
	s7 =	simm.s32 $_tile_overlayer_lowered  }
0x9c: {  	s22 =	simm.s32 $0x1BFF;
	s21 =	sshll.u32 s7, $0x1;
	s4 =	sadd.s32 s5, s19  }
0x9d: {  	s8 =	simm.s32 $0x0;
	s20 =	sshll.u32 s6, $0x1;
	s6 =	sadd.s32 s21, s4  }
0x9e: {  	[timem:s8], [sflag:s22] =	dma.local [hbm:s6], s20  }
0x9f: {  	_ =	swait.ge [sflag:s22], s20  }
0xa0: {  	s5 =	ssub.s32 $0x0, s20;
	[sflag:s22] =	ssyncset.done $0x0  }
0xa1: {  	[sflag:s22] =	ssyncadd.s32 s5;
	_ =	sdelay $0x1  }
0xa2: {  	s23 =	simm.s32 $0x1B8B  }
0xa3: {  	_ =	swait.ge [sflag:s23], $0x1  }
0xa4: {  	[sflag:s23] =	ssyncset.done $0x0  }
0xa5: {  	s25 =	simm.s32 $0x1B8E;
	s24 =	sld [smem:$0x3FFE];
	[sflag:s23] =	ssyncadd.s32 $0xFFFFFFFF  }
0xa6: {  	s26 =	simm.s32 $execute0_lowered;
	[smem:$0x3FD2] =	sst s25  }
0xa7: {  	s6 =	sshll.u32 s26, $0x1;
	_ =	strace $0x80000046;
	[dreg:$0x1] =	wrdreg $0xFFFFFFFF  }
0xa8: {  	s28 =	simm.s32 $_size_execute0_lowered;
	s4 =	sadd.s32 s4, s6;
	[dreg:$0x0] =	wrdreg $0x0  }
0xa9: {  	s6 =	sshll.u32 s28, $0x1;
	[dreg:$0x2] =	wrdreg s4  }
0xaa: {  	[dreg:$0x3] =	wrdreg s6  }
0xab: {  	[dreg:$0x4] =	wrdreg $0xC0  }
0xac: {  	_ =	task [dreg:s8], $0x5FFFF  }
0xad: {  	[dreg:$0x1] =	wrdreg $0xFFFFFFFF  }
0xae: {  	[dreg:$0x0] =	wrdreg $0x60  }
0xaf: {  	[dreg:$0x2] =	wrdreg s2  }
0xb0: {  	[dreg:$0x3] =	wrdreg s24  }
0xb1: {  	[dreg:$0x4] =	wrdreg s18  }
0xb2: {  	[dreg:$0x5] =	wrdreg $0x9  }
0xb3: {  	_ =	task.clear_ibuf [dreg:s8], $0x6FFFF;
	_ =	strace $0x90000046  }
0xb4: {  	s29 =	simm.s32 $0x9;
	_ =	strace $0x80000048  }
0xb5: {  	_ =	swait.ge [sflag:s29], $0x1  }
0xb6: {  	[sflag:s29] =	ssyncadd.s32 $0xFFFFFFFF  }
0xb7: {  	_ =	strace $0x90000048  }
0xb8: {  	_ =	sfence  }
0xb9: {  	s30 =	sld [smem:$0x0];
	_ =	sdelay $0x2  }
0xba: {  	s31 =	sshll.u32 s1, $0xD;
	s1 =	sshrl.u32 s1, $0x2  }
0xbb: {  	s3 =	sand.u32 $0x4000, s31;
	s1 =	sadd.s32 s1, s30  }
0xbc: {  	s0 =	sor.u32 s3, s0;
	s1 =	sshll.u32 s1, $0x11  }
0xbd: {  	s0 =	sor.u32 s1, s0  }
0xbe: {  	s0 =	sadd.s32 $0x8F2B, s0  }
0xbf: {  	[sflag:s0] =	ssyncadd.remote.s32 $0x1  }
0xc0: {  	_ =	sfence.sel $0xFFFF  }
0xc1: {  	[dreg:$0x0] =	wrdreg $0xFFFFFFFF;
	(pc) =	sbr.abs _section_cstart, $3  }
0xc2: {  	[dreg:$0x1] =	wrdreg $0xFFFFFFFF  }
0xc3: {  	_ =	task.clear_ibuf [dreg:s8], $0x2FFFF;
	_ =	strace $0x9FFFFFFF  }
0xc4: {  	(tm) =	ssettm $0x7FFFFFFF  }
0xc5: {  	_ =	shalt  }
tec
execute0_lowered:
.L_overlay_start_1:
0x0: {  	(tag) =	ssettag $0x1  }
0x1: {  	s1 =	rddreg [dreg:$0x0]  }
0x2: {  	s0 =	rddreg [dreg:$0x1]  }
0x3: {  	s2 =	rddreg [dreg:$0x2];
	s25 =	srdreg.scid  }
0x4: {  	s4 =	stileid.u32;
	s3 =	simm.s32 $0x0;
	s10 =	simm.s32 $0x4  }
0x5: {  	s23 =	simm.s32 $0x980;
	s24 =	simm.s32 $0x1180;
	s28 =	simm.s32 $0x2980  }
0x6: {  	s29 =	simm.s32 $0x3180;
	s30 =	simm.s32 $0x3980;
	s31 =	simm.s32 $0x4180  }
0x7: {  	s11 =	simm.s32 $0x5980;
	s12 =	simm.s32 $0x6180;
	s13 =	simm.s32 $0x6980  }
0x8: {  	s14 =	simm.s32 $0x7180;
	s15 =	simm.s32 $0x7980;
	s16 =	simm.s32 $0x8180  }
0x9: {  	s17 =	simm.s32 $0x8980;
	s18 =	simm.s32 $0x9180;
	s19 =	simm.s32 $0x9980  }
0xa: {  	s21 =	simm.s32 $0xA180;
	[dreg:$0x4] =	wrdreg s2;
	s2 =	sand.u32 $0x1, s25  }
0xb: {  	s22 =	simm.s32 $0xA980;
	s4 =	sshll.u32 s4, $0x5;
	s5 =	sshll.u32 s2, $0x4  }
0xc: {  	[smem:$0x7FF] =	sst s3;
	s8 =	sadd.s32 $0x2800, s0;
	s4 =	sor.u32 s5, s4  }
0xd: {  	s25 =	simm.s32 $0x1980;
	s2 =	ssub.s32 $0x2, s2;
	s5 =	sadd.s32 s4, s0  }
0xe: {  	_ =	strace $0x80000047;
	s7 =	sshrl.u32 s2, $0x1;
	s6 =	sadd.s32 $0x2400, s5  }
0xf: {  	s4 =	sadd.s32 $0x2600, s0;
	s26 =	sadd.s32 $0x2000, s5;
	[dreg:$0x5] =	wrdreg s6  }
0x10: {  	v2 =	vlaneseq.u32;
	s2 =	ssub.s32 s2, s7;
	s5 =	sadd.s32 $0x2200, s5;
	[dreg:$0x6] =	wrdreg s26  }
0x11: {  	vm0 =	vmmov $0xffff;
	v1 =	vshrl.u32 v2, $0x3;
	s7 =	sadd.s32 $0x2700, s0;
	s9 =	smax.u32 s2, $0x1;
	[dreg:$0x7] =	wrdreg s5  }
0x12: {  	v0 =	vand.u32 $0x7, v2;
	v2 =	vor.u32 $0x8, v2;
	v1 =	vmul.u32 $0x8, v1;
	s5 =	sadd.s32 $0x100, s1;
	s6 =	sadd.s32 $0x200, s1;
	s26 =	simm.s32 $0x2180  }
.LBB2_1:
0x13: {  	s20 =	rddreg [dreg:$0x5]  }
0x14: {  	[tilespmem:s3], [sflag:$0x4] =	stream.linear.gather [hbm4b:s20+s3], $0x80, $0x38;
	[tilespmem:$0x18180] =	vst v63  }
0x15: {  	_ =	swait.ge [sflag:s10], $0x80  }
0x16: {  	[sflag:s10] =	ssyncset.done $0x0  }
0x17: {  	s0 =	simm.s32 $0x80;
	s2 =	rddreg [dreg:$0x6];
	[sflag:s10] =	ssyncadd.s32 $0xFFFFFF80  }
0x18: {  	[tilespmem:s0], [sflag:$0x4] =	stream.linear.gather [hbm4b:s2+s3], $0x80, $0x38;
	[tilespmem:$0x18180] =	vst v63  }
0x19: {  	_ =	swait.ge [sflag:s10], $0x80  }
0x1a: {  	[sflag:s10] =	ssyncset.done $0x0  }
0x1b: {  	s2 =	simm.s32 $0x100;
	s0 =	rddreg [dreg:$0x7];
	[sflag:s10] =	ssyncadd.s32 $0xFFFFFF80  }
0x1c: {  	[tilespmem:s2], [sflag:$0x4] =	stream.linear.gather [hbm4b:s0+s3], $0x80, $0x38;
	[tilespmem:$0x18180] =	vst v63  }
0x1d: {  	_ =	swait.ge [sflag:s10], $0x80  }
0x1e: {  	[sflag:s10] =	ssyncset.done $0x0  }
0x1f: {  	[sflag:s10] =	ssyncadd.s32 $0xFFFFFF80  }
0x20: {  	v3 =	vld [tilespmem:$0x80];
	_ =	sdelay $0x4  }
0x21: {  	v4 =	vshrl.u32 v3, $0x3  }
0x22: {  	v4 =	vmul.u32 $0x30, v4  }
0x23: {  	v3 =	vand.u32 $0x7, v3  }
0x24: {  	v3 =	vor.u32 v3, v4  }
0x25: {  	v4 =	vperm.xlane v3, v0;
	_ =	sdelay $0x1  }
0x26: {  	v4 =	vadd.s32 v1, v4;
	_ =	sdelay $0x3  }
0x27: {  	s20 =	simm.s32 $0x180;
	v3 =	vperm.xlane v3, v2  }
0x28: {  	[tilespmem:s20], [sflag:$0x1] =	stream.indirect_vreg.gather [hbm4b:s1+s3], $0x80, v4, vm0, $0xb8;
	[tilespmem:$0x18180] =	vst v63  }
0x29: {  	v3 =	vadd.s32 v1, v3  }
0x2a: {  	[tilespmem:s23], [sflag:$0x1] =	stream.indirect_vreg.gather [hbm4b:s5+s3], $0x80, v4, vm0, $0xb8;
	[tilespmem:$0x18180] =	vst v63  }
0x2b: {  	_ = 	snop  }
0x2c: {  	[tilespmem:s24], [sflag:$0x1] =	stream.indirect_vreg.gather [hbm4b:s6+s3], $0x80, v4, vm0, $0xb8;
	[tilespmem:$0x18180] =	vst v63  }
0x2d: {  	_ = 	snop  }
0x2e: {  	[tilespmem:s25], [sflag:$0x1] =	stream.indirect_vreg.gather [hbm4b:s1+s3], $0x80, v3, vm0, $0xb8;
	[tilespmem:$0x18180] =	vst v63  }
0x2f: {  	_ = 	snop  }
0x30: {  	[tilespmem:s26], [sflag:$0x1] =	stream.indirect_vreg.gather [hbm4b:s5+s3], $0x80, v3, vm0, $0xb8;
	[tilespmem:$0x18180] =	vst v63  }
0x31: {  	_ = 	snop  }
0x32: {  	[tilespmem:s28], [sflag:$0x1] =	stream.indirect_vreg.gather [hbm4b:s6+s3], $0x80, v3, vm0, $0xb8;
	[tilespmem:$0x18180] =	vst v63  }
0x33: {  	v3 =	vld [tilespmem:$0x90];
	_ =	sdelay $0x4  }
0x34: {  	v49 =	vshrl.u32 v3, $0x3  }
0x35: {  	v4 =	vmul.u32 $0x30, v49  }
0x36: {  	v3 =	vand.u32 $0x7, v3  }
0x37: {  	v3 =	vor.u32 v3, v4  }
0x38: {  	v4 =	vperm.xlane v3, v0;
	_ =	sdelay $0x1  }
0x39: {  	v4 =	vadd.s32 v1, v4;
	_ =	sdelay $0x3  }
0x3a: {  	v3 =	vperm.xlane v3, v2  }
0x3b: {  	[tilespmem:s29], [sflag:$0x1] =	stream.indirect_vreg.gather [hbm4b:s1+s3], $0x80, v4, vm0, $0xb8;
	[tilespmem:$0x18180] =	vst v63  }
0x3c: {  	v3 =	vadd.s32 v1, v3  }
0x3d: {  	[tilespmem:s30], [sflag:$0x1] =	stream.indirect_vreg.gather [hbm4b:s5+s3], $0x80, v4, vm0, $0xb8;
	[tilespmem:$0x18180] =	vst v63  }
0x3e: {  	_ = 	snop  }
0x3f: {  	[tilespmem:s31], [sflag:$0x1] =	stream.indirect_vreg.gather [hbm4b:s6+s3], $0x80, v4, vm0, $0xb8;
	[tilespmem:$0x18180] =	vst v63  }
0x40: {  	s2 =	simm.s32 $0x4980  }
0x41: {  	[tilespmem:s2], [sflag:$0x1] =	stream.indirect_vreg.gather [hbm4b:s1+s3], $0x80, v3, vm0, $0xb8;
	[tilespmem:$0x18180] =	vst v63  }
0x42: {  	s2 =	simm.s32 $0x5180  }
0x43: {  	[tilespmem:s2], [sflag:$0x1] =	stream.indirect_vreg.gather [hbm4b:s5+s3], $0x80, v3, vm0, $0xb8;
	[tilespmem:$0x18180] =	vst v63  }
0x44: {  	_ = 	snop  }
0x45: {  	[tilespmem:s11], [sflag:$0x1] =	stream.indirect_vreg.gather [hbm4b:s6+s3], $0x80, v3, vm0, $0xb8;
	[tilespmem:$0x18180] =	vst v63  }
0x46: {  	v3 =	vld [tilespmem:$0xA0];
	_ =	sdelay $0x4  }
0x47: {  	v50 =	vshrl.u32 v3, $0x3  }
0x48: {  	v4 =	vmul.u32 $0x30, v50  }
0x49: {  	v3 =	vand.u32 $0x7, v3  }
0x4a: {  	v3 =	vor.u32 v3, v4  }
0x4b: {  	v4 =	vperm.xlane v3, v0;
	_ =	sdelay $0x1  }
0x4c: {  	v4 =	vadd.s32 v1, v4;
	_ =	sdelay $0x3  }
0x4d: {  	v3 =	vperm.xlane v3, v2  }
0x4e: {  	[tilespmem:s12], [sflag:$0x1] =	stream.indirect_vreg.gather [hbm4b:s1+s3], $0x80, v4, vm0, $0xb8;
	[tilespmem:$0x18180] =	vst v63  }
0x4f: {  	v3 =	vadd.s32 v1, v3  }
0x50: {  	[tilespmem:s13], [sflag:$0x1] =	stream.indirect_vreg.gather [hbm4b:s5+s3], $0x80, v4, vm0, $0xb8;
	[tilespmem:$0x18180] =	vst v63  }
0x51: {  	_ = 	snop  }
0x52: {  	[tilespmem:s14], [sflag:$0x1] =	stream.indirect_vreg.gather [hbm4b:s6+s3], $0x80, v4, vm0, $0xb8;
	[tilespmem:$0x18180] =	vst v63  }
0x53: {  	_ = 	snop  }
0x54: {  	[tilespmem:s15], [sflag:$0x1] =	stream.indirect_vreg.gather [hbm4b:s1+s3], $0x80, v3, vm0, $0xb8;
	[tilespmem:$0x18180] =	vst v63  }
0x55: {  	_ = 	snop  }
0x56: {  	[tilespmem:s16], [sflag:$0x1] =	stream.indirect_vreg.gather [hbm4b:s5+s3], $0x80, v3, vm0, $0xb8;
	[tilespmem:$0x18180] =	vst v63  }
0x57: {  	_ = 	snop  }
0x58: {  	[tilespmem:s17], [sflag:$0x1] =	stream.indirect_vreg.gather [hbm4b:s6+s3], $0x80, v3, vm0, $0xb8;
	[tilespmem:$0x18180] =	vst v63  }
0x59: {  	v3 =	vld [tilespmem:$0xB0];
	_ =	sdelay $0x4  }
0x5a: {  	v51 =	vshrl.u32 v3, $0x3  }
0x5b: {  	v4 =	vmul.u32 $0x30, v51  }
0x5c: {  	v3 =	vand.u32 $0x7, v3  }
0x5d: {  	v3 =	vor.u32 v3, v4  }
0x5e: {  	v4 =	vperm.xlane v3, v0;
	_ =	sdelay $0x1  }
0x5f: {  	v4 =	vadd.s32 v1, v4;
	_ =	sdelay $0x3  }
0x60: {  	v3 =	vperm.xlane v3, v2  }
0x61: {  	[tilespmem:s18], [sflag:$0x1] =	stream.indirect_vreg.gather [hbm4b:s1+s3], $0x80, v4, vm0, $0xb8;
	[tilespmem:$0x18180] =	vst v63  }
0x62: {  	v3 =	vadd.s32 v1, v3  }
0x63: {  	[tilespmem:s19], [sflag:$0x1] =	stream.indirect_vreg.gather [hbm4b:s5+s3], $0x80, v4, vm0, $0xb8;
	[tilespmem:$0x18180] =	vst v63  }
0x64: {  	_ = 	snop  }
0x65: {  	[tilespmem:s21], [sflag:$0x1] =	stream.indirect_vreg.gather [hbm4b:s6+s3], $0x80, v4, vm0, $0xb8;
	[tilespmem:$0x18180] =	vst v63  }
0x66: {  	_ = 	snop  }
0x67: {  	[tilespmem:s22], [sflag:$0x1] =	stream.indirect_vreg.gather [hbm4b:s1+s3], $0x80, v3, vm0, $0xb8;
	[tilespmem:$0x18180] =	vst v63  }
0x68: {  	s0 =	simm.s32 $0xB180  }
0x69: {  	[tilespmem:s0], [sflag:$0x1] =	stream.indirect_vreg.gather [hbm4b:s5+s3], $0x80, v3, vm0, $0xb8;
	[tilespmem:$0x18180] =	vst v63  }
0x6a: {  	s0 =	simm.s32 $0xB980  }
0x6b: {  	[tilespmem:s0], [sflag:$0x1] =	stream.indirect_vreg.gather [hbm4b:s6+s3], $0x80, v3, vm0, $0xb8;
	[tilespmem:$0x18180] =	vst v63  }
0x6c: {  	v3 =	vld [tilespmem:$0xC0];
	_ =	sdelay $0x4  }
0x6d: {  	v52 =	vshrl.u32 v3, $0x3  }
0x6e: {  	v4 =	vmul.u32 $0x30, v52  }
0x6f: {  	v3 =	vand.u32 $0x7, v3  }
0x70: {  	v3 =	vor.u32 v3, v4  }
0x71: {  	v4 =	vperm.xlane v3, v0;
	_ =	sdelay $0x1  }
0x72: {  	v4 =	vadd.s32 v1, v4;
	_ =	sdelay $0x3  }
0x73: {  	s0 =	simm.s32 $0xC180;
	v3 =	vperm.xlane v3, v2  }
0x74: {  	[tilespmem:s0], [sflag:$0x1] =	stream.indirect_vreg.gather [hbm4b:s1+s3], $0x80, v4, vm0, $0xb8;
	[tilespmem:$0x18180] =	vst v63  }
0x75: {  	v3 =	vadd.s32 v1, v3;
	s0 =	simm.s32 $0xC980  }
0x76: {  	[tilespmem:s0], [sflag:$0x1] =	stream.indirect_vreg.gather [hbm4b:s5+s3], $0x80, v4, vm0, $0xb8;
	[tilespmem:$0x18180] =	vst v63  }
0x77: {  	s0 =	simm.s32 $0xD180  }
0x78: {  	[tilespmem:s0], [sflag:$0x1] =	stream.indirect_vreg.gather [hbm4b:s6+s3], $0x80, v4, vm0, $0xb8;
	[tilespmem:$0x18180] =	vst v63  }
0x79: {  	s0 =	simm.s32 $0xD980  }
0x7a: {  	[tilespmem:s0], [sflag:$0x1] =	stream.indirect_vreg.gather [hbm4b:s1+s3], $0x80, v3, vm0, $0xb8;
	[tilespmem:$0x18180] =	vst v63  }
0x7b: {  	s0 =	simm.s32 $0xE180  }
0x7c: {  	[tilespmem:s0], [sflag:$0x1] =	stream.indirect_vreg.gather [hbm4b:s5+s3], $0x80, v3, vm0, $0xb8;
	[tilespmem:$0x18180] =	vst v63  }
0x7d: {  	s0 =	simm.s32 $0xE980  }
0x7e: {  	[tilespmem:s0], [sflag:$0x1] =	stream.indirect_vreg.gather [hbm4b:s6+s3], $0x80, v3, vm0, $0xb8;
	[tilespmem:$0x18180] =	vst v63  }
0x7f: {  	v3 =	vld [tilespmem:$0xD0];
	_ =	sdelay $0x4  }
0x80: {  	v53 =	vshrl.u32 v3, $0x3  }
0x81: {  	v4 =	vmul.u32 $0x30, v53  }
0x82: {  	v3 =	vand.u32 $0x7, v3  }
0x83: {  	v3 =	vor.u32 v3, v4  }
0x84: {  	v4 =	vperm.xlane v3, v0;
	_ =	sdelay $0x1  }
0x85: {  	v4 =	vadd.s32 v1, v4;
	_ =	sdelay $0x3  }
0x86: {  	s0 =	simm.s32 $0xF180;
	v3 =	vperm.xlane v3, v2  }
0x87: {  	[tilespmem:s0], [sflag:$0x1] =	stream.indirect_vreg.gather [hbm4b:s1+s3], $0x80, v4, vm0, $0xb8;
	[tilespmem:$0x18180] =	vst v63  }
0x88: {  	v3 =	vadd.s32 v1, v3;
	s0 =	simm.s32 $0xF980  }
0x89: {  	[tilespmem:s0], [sflag:$0x1] =	stream.indirect_vreg.gather [hbm4b:s5+s3], $0x80, v4, vm0, $0xb8;
	[tilespmem:$0x18180] =	vst v63  }
0x8a: {  	s0 =	simm.s32 $0x10180  }
0x8b: {  	[tilespmem:s0], [sflag:$0x1] =	stream.indirect_vreg.gather [hbm4b:s6+s3], $0x80, v4, vm0, $0xb8;
	[tilespmem:$0x18180] =	vst v63  }
0x8c: {  	s0 =	simm.s32 $0x10980  }
0x8d: {  	[tilespmem:s0], [sflag:$0x1] =	stream.indirect_vreg.gather [hbm4b:s1+s3], $0x80, v3, vm0, $0xb8;
	[tilespmem:$0x18180] =	vst v63  }
0x8e: {  	s0 =	simm.s32 $0x11180  }
0x8f: {  	[tilespmem:s0], [sflag:$0x1] =	stream.indirect_vreg.gather [hbm4b:s5+s3], $0x80, v3, vm0, $0xb8;
	[tilespmem:$0x18180] =	vst v63  }
0x90: {  	s0 =	simm.s32 $0x11980  }
0x91: {  	[tilespmem:s0], [sflag:$0x1] =	stream.indirect_vreg.gather [hbm4b:s6+s3], $0x80, v3, vm0, $0xb8;
	[tilespmem:$0x18180] =	vst v63  }
0x92: {  	v3 =	vld [tilespmem:$0xE0];
	_ =	sdelay $0x4  }
0x93: {  	v54 =	vshrl.u32 v3, $0x3  }
0x94: {  	v4 =	vmul.u32 $0x30, v54  }
0x95: {  	v3 =	vand.u32 $0x7, v3  }
0x96: {  	v3 =	vor.u32 v3, v4  }
0x97: {  	v4 =	vperm.xlane v3, v0;
	_ =	sdelay $0x1  }
0x98: {  	v4 =	vadd.s32 v1, v4;
	_ =	sdelay $0x3  }
0x99: {  	s0 =	simm.s32 $0x12180;
	v3 =	vperm.xlane v3, v2  }
0x9a: {  	[tilespmem:s0], [sflag:$0x1] =	stream.indirect_vreg.gather [hbm4b:s1+s3], $0x80, v4, vm0, $0xb8;
	[tilespmem:$0x18180] =	vst v63  }
0x9b: {  	v3 =	vadd.s32 v1, v3;
	s0 =	simm.s32 $0x12980  }
0x9c: {  	[tilespmem:s0], [sflag:$0x1] =	stream.indirect_vreg.gather [hbm4b:s5+s3], $0x80, v4, vm0, $0xb8;
	[tilespmem:$0x18180] =	vst v63  }
0x9d: {  	s0 =	simm.s32 $0x13180  }
0x9e: {  	[tilespmem:s0], [sflag:$0x1] =	stream.indirect_vreg.gather [hbm4b:s6+s3], $0x80, v4, vm0, $0xb8;
	[tilespmem:$0x18180] =	vst v63  }
0x9f: {  	s0 =	simm.s32 $0x13980  }
0xa0: {  	[tilespmem:s0], [sflag:$0x1] =	stream.indirect_vreg.gather [hbm4b:s1+s3], $0x80, v3, vm0, $0xb8;
	[tilespmem:$0x18180] =	vst v63  }
0xa1: {  	s0 =	simm.s32 $0x14180  }
0xa2: {  	[tilespmem:s0], [sflag:$0x1] =	stream.indirect_vreg.gather [hbm4b:s5+s3], $0x80, v3, vm0, $0xb8;
	[tilespmem:$0x18180] =	vst v63  }
0xa3: {  	s0 =	simm.s32 $0x14980  }
0xa4: {  	[tilespmem:s0], [sflag:$0x1] =	stream.indirect_vreg.gather [hbm4b:s6+s3], $0x80, v3, vm0, $0xb8;
	[tilespmem:$0x18180] =	vst v63  }
0xa5: {  	v3 =	vld [tilespmem:$0xF0];
	_ =	sdelay $0x4  }
0xa6: {  	v55 =	vshrl.u32 v3, $0x3  }
0xa7: {  	v4 =	vmul.u32 $0x30, v55  }
0xa8: {  	v3 =	vand.u32 $0x7, v3  }
0xa9: {  	v3 =	vor.u32 v3, v4  }
0xaa: {  	v4 =	vperm.xlane v3, v0;
	_ =	sdelay $0x1  }
0xab: {  	v4 =	vadd.s32 v1, v4;
	_ =	sdelay $0x3  }
0xac: {  	s0 =	simm.s32 $0x15180;
	v3 =	vperm.xlane v3, v2  }
0xad: {  	[tilespmem:s0], [sflag:$0x1] =	stream.indirect_vreg.gather [hbm4b:s1+s3], $0x80, v4, vm0, $0xb8;
	[tilespmem:$0x18180] =	vst v63  }
0xae: {  	v3 =	vadd.s32 v1, v3;
	s0 =	simm.s32 $0x15980  }
0xaf: {  	[tilespmem:s0], [sflag:$0x1] =	stream.indirect_vreg.gather [hbm4b:s5+s3], $0x80, v4, vm0, $0xb8;
	[tilespmem:$0x18180] =	vst v63  }
0xb0: {  	s0 =	simm.s32 $0x16180  }
0xb1: {  	[tilespmem:s0], [sflag:$0x1] =	stream.indirect_vreg.gather [hbm4b:s6+s3], $0x80, v4, vm0, $0xb8;
	[tilespmem:$0x18180] =	vst v63  }
0xb2: {  	s0 =	simm.s32 $0x16980  }
0xb3: {  	[tilespmem:s0], [sflag:$0x1] =	stream.indirect_vreg.gather [hbm4b:s1+s3], $0x80, v3, vm0, $0xb8;
	[tilespmem:$0x18180] =	vst v63  }
0xb4: {  	s0 =	simm.s32 $0x17180  }
0xb5: {  	[tilespmem:s0], [sflag:$0x1] =	stream.indirect_vreg.gather [hbm4b:s5+s3], $0x80, v3, vm0, $0xb8;
	[tilespmem:$0x18180] =	vst v63  }
0xb6: {  	s0 =	simm.s32 $0x17980  }
0xb7: {  	[tilespmem:s0], [sflag:$0x1] =	stream.indirect_vreg.gather [hbm4b:s6+s3], $0x80, v3, vm0, $0xb8;
	[tilespmem:$0x18180] =	vst v63  }
0xb8: {  	s0 =	simm.s32 $0x1  }
0xb9: {  	_ =	swait.ge [sflag:s0], $0x18000  }
0xba: {  	[sflag:s0] =	ssyncset.done $0x0  }
0xbb: {  	[sflag:s0] =	ssyncadd.s32 $0xFFFE8000  }
0xbc: {  	v3 =	vld [tilespmem:$0x0];
	_ =	sdelay $0x4  }
0xbd: {  	v56 =	vshrl.u32 v3, $0x3  }
0xbe: {  	v4 =	vmul.u32 $0x30, v56  }
0xbf: {  	v3 =	vand.u32 $0x7, v3  }
0xc0: {  	v3 =	vor.u32 v3, v4  }
0xc1: {  	v4 =	vperm.xlane v3, v0;
	_ =	sdelay $0x1  }
0xc2: {  	v4 =	vadd.s32 v1, v4;
	_ =	sdelay $0x3  }
0xc3: {  	v3 =	vperm.xlane v3, v2  }
0xc4: {  	[hbm4b:s4+s3] =	stream.indirect_vreg.scatter [tilespmem:s20], [sflag:$0x2], $0x80, v4, vm0, $0xb8;
	[tilespmem:$0x18180] =	vst v63  }
0xc5: {  	v3 =	vadd.s32 v1, v3  }
0xc6: {  	[hbm4b:s7+s3] =	stream.indirect_vreg.scatter [tilespmem:s23], [sflag:$0x2], $0x80, v4, vm0, $0xb8;
	[tilespmem:$0x18180] =	vst v63  }
0xc7: {  	_ = 	snop  }
0xc8: {  	[hbm4b:s8+s3] =	stream.indirect_vreg.scatter [tilespmem:s24], [sflag:$0x2], $0x80, v4, vm0, $0xb8;
	[tilespmem:$0x18180] =	vst v63  }
0xc9: {  	_ = 	snop  }
0xca: {  	[hbm4b:s4+s3] =	stream.indirect_vreg.scatter [tilespmem:s25], [sflag:$0x2], $0x80, v3, vm0, $0xb8;
	[tilespmem:$0x18180] =	vst v63  }
0xcb: {  	_ = 	snop  }
0xcc: {  	[hbm4b:s7+s3] =	stream.indirect_vreg.scatter [tilespmem:s26], [sflag:$0x2], $0x80, v3, vm0, $0xb8;
	[tilespmem:$0x18180] =	vst v63  }
0xcd: {  	_ = 	snop  }
0xce: {  	[hbm4b:s8+s3] =	stream.indirect_vreg.scatter [tilespmem:s28], [sflag:$0x2], $0x80, v3, vm0, $0xb8;
	[tilespmem:$0x18180] =	vst v63  }
0xcf: {  	v3 =	vld [tilespmem:$0x10];
	_ =	sdelay $0x4  }
0xd0: {  	v57 =	vshrl.u32 v3, $0x3  }
0xd1: {  	v4 =	vmul.u32 $0x30, v57  }
0xd2: {  	v3 =	vand.u32 $0x7, v3  }
0xd3: {  	v3 =	vor.u32 v3, v4  }
0xd4: {  	v4 =	vperm.xlane v3, v0;
	_ =	sdelay $0x1  }
0xd5: {  	v4 =	vadd.s32 v1, v4;
	_ =	sdelay $0x3  }
0xd6: {  	v3 =	vperm.xlane v3, v2  }
0xd7: {  	[hbm4b:s4+s3] =	stream.indirect_vreg.scatter [tilespmem:s29], [sflag:$0x2], $0x80, v4, vm0, $0xb8;
	[tilespmem:$0x18180] =	vst v63  }
0xd8: {  	v3 =	vadd.s32 v1, v3  }
0xd9: {  	[hbm4b:s7+s3] =	stream.indirect_vreg.scatter [tilespmem:s30], [sflag:$0x2], $0x80, v4, vm0, $0xb8;
	[tilespmem:$0x18180] =	vst v63  }
0xda: {  	_ = 	snop  }
0xdb: {  	[hbm4b:s8+s3] =	stream.indirect_vreg.scatter [tilespmem:s31], [sflag:$0x2], $0x80, v4, vm0, $0xb8;
	[tilespmem:$0x18180] =	vst v63  }
0xdc: {  	s20 =	simm.s32 $0x4980  }
0xdd: {  	[hbm4b:s4+s3] =	stream.indirect_vreg.scatter [tilespmem:s20], [sflag:$0x2], $0x80, v3, vm0, $0xb8;
	[tilespmem:$0x18180] =	vst v63  }
0xde: {  	_ = 	snop  }
0xdf: {  	[hbm4b:s7+s3] =	stream.indirect_vreg.scatter [tilespmem:s2], [sflag:$0x2], $0x80, v3, vm0, $0xb8;
	[tilespmem:$0x18180] =	vst v63  }
0xe0: {  	_ = 	snop  }
0xe1: {  	[hbm4b:s8+s3] =	stream.indirect_vreg.scatter [tilespmem:s11], [sflag:$0x2], $0x80, v3, vm0, $0xb8;
	[tilespmem:$0x18180] =	vst v63  }
0xe2: {  	v3 =	vld [tilespmem:$0x20];
	_ =	sdelay $0x4  }
0xe3: {  	v58 =	vshrl.u32 v3, $0x3  }
0xe4: {  	v4 =	vmul.u32 $0x30, v58  }
0xe5: {  	v3 =	vand.u32 $0x7, v3  }
0xe6: {  	v3 =	vor.u32 v3, v4  }
0xe7: {  	v4 =	vperm.xlane v3, v0;
	_ =	sdelay $0x1  }
0xe8: {  	v4 =	vadd.s32 v1, v4;
	_ =	sdelay $0x3  }
0xe9: {  	v3 =	vperm.xlane v3, v2  }
0xea: {  	[hbm4b:s4+s3] =	stream.indirect_vreg.scatter [tilespmem:s12], [sflag:$0x2], $0x80, v4, vm0, $0xb8;
	[tilespmem:$0x18180] =	vst v63  }
0xeb: {  	v3 =	vadd.s32 v1, v3  }
0xec: {  	[hbm4b:s7+s3] =	stream.indirect_vreg.scatter [tilespmem:s13], [sflag:$0x2], $0x80, v4, vm0, $0xb8;
	[tilespmem:$0x18180] =	vst v63  }
0xed: {  	_ = 	snop  }
0xee: {  	[hbm4b:s8+s3] =	stream.indirect_vreg.scatter [tilespmem:s14], [sflag:$0x2], $0x80, v4, vm0, $0xb8;
	[tilespmem:$0x18180] =	vst v63  }
0xef: {  	_ = 	snop  }
0xf0: {  	[hbm4b:s4+s3] =	stream.indirect_vreg.scatter [tilespmem:s15], [sflag:$0x2], $0x80, v3, vm0, $0xb8;
	[tilespmem:$0x18180] =	vst v63  }
0xf1: {  	_ = 	snop  }
0xf2: {  	[hbm4b:s7+s3] =	stream.indirect_vreg.scatter [tilespmem:s16], [sflag:$0x2], $0x80, v3, vm0, $0xb8;
	[tilespmem:$0x18180] =	vst v63  }
0xf3: {  	_ = 	snop  }
0xf4: {  	[hbm4b:s8+s3] =	stream.indirect_vreg.scatter [tilespmem:s17], [sflag:$0x2], $0x80, v3, vm0, $0xb8;
	[tilespmem:$0x18180] =	vst v63  }
0xf5: {  	v3 =	vld [tilespmem:$0x30];
	_ =	sdelay $0x4  }
0xf6: {  	v59 =	vshrl.u32 v3, $0x3  }
0xf7: {  	v4 =	vmul.u32 $0x30, v59  }
0xf8: {  	v3 =	vand.u32 $0x7, v3  }
0xf9: {  	v3 =	vor.u32 v3, v4  }
0xfa: {  	v4 =	vperm.xlane v3, v0;
	_ =	sdelay $0x1  }
0xfb: {  	v4 =	vadd.s32 v1, v4;
	_ =	sdelay $0x3  }
0xfc: {  	v3 =	vperm.xlane v3, v2  }
0xfd: {  	[hbm4b:s4+s3] =	stream.indirect_vreg.scatter [tilespmem:s18], [sflag:$0x2], $0x80, v4, vm0, $0xb8;
	[tilespmem:$0x18180] =	vst v63  }
0xfe: {  	v3 =	vadd.s32 v1, v3  }
0xff: {  	[hbm4b:s7+s3] =	stream.indirect_vreg.scatter [tilespmem:s19], [sflag:$0x2], $0x80, v4, vm0, $0xb8;
	[tilespmem:$0x18180] =	vst v63  }
0x100: {  	_ = 	snop  }
0x101: {  	[hbm4b:s8+s3] =	stream.indirect_vreg.scatter [tilespmem:s21], [sflag:$0x2], $0x80, v4, vm0, $0xb8;
	[tilespmem:$0x18180] =	vst v63  }
0x102: {  	_ = 	snop  }
0x103: {  	[hbm4b:s4+s3] =	stream.indirect_vreg.scatter [tilespmem:s22], [sflag:$0x2], $0x80, v3, vm0, $0xb8;
	[tilespmem:$0x18180] =	vst v63  }
0x104: {  	s20 =	simm.s32 $0xB180  }
0x105: {  	[hbm4b:s7+s3] =	stream.indirect_vreg.scatter [tilespmem:s20], [sflag:$0x2], $0x80, v3, vm0, $0xb8;
	[tilespmem:$0x18180] =	vst v63  }
0x106: {  	s2 =	simm.s32 $0xB980  }
0x107: {  	[hbm4b:s8+s3] =	stream.indirect_vreg.scatter [tilespmem:s2], [sflag:$0x2], $0x80, v3, vm0, $0xb8;
	[tilespmem:$0x18180] =	vst v63  }
0x108: {  	v3 =	vld [tilespmem:$0x40];
	_ =	sdelay $0x4  }
0x109: {  	v60 =	vshrl.u32 v3, $0x3  }
0x10a: {  	v4 =	vmul.u32 $0x30, v60  }
0x10b: {  	v3 =	vand.u32 $0x7, v3  }
0x10c: {  	v3 =	vor.u32 v3, v4  }
0x10d: {  	v4 =	vperm.xlane v3, v0;
	_ =	sdelay $0x1  }
0x10e: {  	v4 =	vadd.s32 v1, v4;
	_ =	sdelay $0x3  }
0x10f: {  	s20 =	simm.s32 $0xC180;
	v3 =	vperm.xlane v3, v2  }
0x110: {  	[hbm4b:s4+s3] =	stream.indirect_vreg.scatter [tilespmem:s20], [sflag:$0x2], $0x80, v4, vm0, $0xb8;
	[tilespmem:$0x18180] =	vst v63  }
0x111: {  	s2 =	simm.s32 $0xC980;
	v3 =	vadd.s32 v1, v3  }
0x112: {  	[hbm4b:s7+s3] =	stream.indirect_vreg.scatter [tilespmem:s2], [sflag:$0x2], $0x80, v4, vm0, $0xb8;
	[tilespmem:$0x18180] =	vst v63  }
0x113: {  	s20 =	simm.s32 $0xD180  }
0x114: {  	[hbm4b:s8+s3] =	stream.indirect_vreg.scatter [tilespmem:s20], [sflag:$0x2], $0x80, v4, vm0, $0xb8;
	[tilespmem:$0x18180] =	vst v63  }
0x115: {  	s2 =	simm.s32 $0xD980  }
0x116: {  	[hbm4b:s4+s3] =	stream.indirect_vreg.scatter [tilespmem:s2], [sflag:$0x2], $0x80, v3, vm0, $0xb8;
	[tilespmem:$0x18180] =	vst v63  }
0x117: {  	s20 =	simm.s32 $0xE180  }
0x118: {  	[hbm4b:s7+s3] =	stream.indirect_vreg.scatter [tilespmem:s20], [sflag:$0x2], $0x80, v3, vm0, $0xb8;
	[tilespmem:$0x18180] =	vst v63  }
0x119: {  	s2 =	simm.s32 $0xE980  }
0x11a: {  	[hbm4b:s8+s3] =	stream.indirect_vreg.scatter [tilespmem:s2], [sflag:$0x2], $0x80, v3, vm0, $0xb8;
	[tilespmem:$0x18180] =	vst v63  }
0x11b: {  	v3 =	vld [tilespmem:$0x50];
	_ =	sdelay $0x4  }
0x11c: {  	v61 =	vshrl.u32 v3, $0x3  }
0x11d: {  	v4 =	vmul.u32 $0x30, v61  }
0x11e: {  	v3 =	vand.u32 $0x7, v3  }
0x11f: {  	v3 =	vor.u32 v3, v4  }
0x120: {  	v4 =	vperm.xlane v3, v0;
	_ =	sdelay $0x1  }
0x121: {  	v4 =	vadd.s32 v1, v4;
	_ =	sdelay $0x3  }
0x122: {  	s20 =	simm.s32 $0xF180;
	v3 =	vperm.xlane v3, v2  }
0x123: {  	[hbm4b:s4+s3] =	stream.indirect_vreg.scatter [tilespmem:s20], [sflag:$0x2], $0x80, v4, vm0, $0xb8;
	[tilespmem:$0x18180] =	vst v63  }
0x124: {  	s2 =	simm.s32 $0xF980;
	v3 =	vadd.s32 v1, v3  }
0x125: {  	[hbm4b:s7+s3] =	stream.indirect_vreg.scatter [tilespmem:s2], [sflag:$0x2], $0x80, v4, vm0, $0xb8;
	[tilespmem:$0x18180] =	vst v63  }
0x126: {  	s20 =	simm.s32 $0x10180  }
0x127: {  	[hbm4b:s8+s3] =	stream.indirect_vreg.scatter [tilespmem:s20], [sflag:$0x2], $0x80, v4, vm0, $0xb8;
	[tilespmem:$0x18180] =	vst v63  }
0x128: {  	s2 =	simm.s32 $0x10980  }
0x129: {  	[hbm4b:s4+s3] =	stream.indirect_vreg.scatter [tilespmem:s2], [sflag:$0x2], $0x80, v3, vm0, $0xb8;
	[tilespmem:$0x18180] =	vst v63  }
0x12a: {  	s20 =	simm.s32 $0x11180  }
0x12b: {  	[hbm4b:s7+s3] =	stream.indirect_vreg.scatter [tilespmem:s20], [sflag:$0x2], $0x80, v3, vm0, $0xb8;
	[tilespmem:$0x18180] =	vst v63  }
0x12c: {  	s2 =	simm.s32 $0x11980  }
0x12d: {  	[hbm4b:s8+s3] =	stream.indirect_vreg.scatter [tilespmem:s2], [sflag:$0x2], $0x80, v3, vm0, $0xb8;
	[tilespmem:$0x18180] =	vst v63  }
0x12e: {  	v3 =	vld [tilespmem:$0x60];
	_ =	sdelay $0x4  }
0x12f: {  	v62 =	vshrl.u32 v3, $0x3  }
0x130: {  	v4 =	vmul.u32 $0x30, v62  }
0x131: {  	v3 =	vand.u32 $0x7, v3  }
0x132: {  	v3 =	vor.u32 v3, v4  }
0x133: {  	v4 =	vperm.xlane v3, v0;
	_ =	sdelay $0x1  }
0x134: {  	v4 =	vadd.s32 v1, v4;
	_ =	sdelay $0x3  }
0x135: {  	s20 =	simm.s32 $0x12180;
	v3 =	vperm.xlane v3, v2  }
0x136: {  	[hbm4b:s4+s3] =	stream.indirect_vreg.scatter [tilespmem:s20], [sflag:$0x2], $0x80, v4, vm0, $0xb8;
	[tilespmem:$0x18180] =	vst v63  }
0x137: {  	s2 =	simm.s32 $0x12980;
	v3 =	vadd.s32 v1, v3  }
0x138: {  	[hbm4b:s7+s3] =	stream.indirect_vreg.scatter [tilespmem:s2], [sflag:$0x2], $0x80, v4, vm0, $0xb8;
	[tilespmem:$0x18180] =	vst v63  }
0x139: {  	s20 =	simm.s32 $0x13180  }
0x13a: {  	[hbm4b:s8+s3] =	stream.indirect_vreg.scatter [tilespmem:s20], [sflag:$0x2], $0x80, v4, vm0, $0xb8;
	[tilespmem:$0x18180] =	vst v63  }
0x13b: {  	s2 =	simm.s32 $0x13980  }
0x13c: {  	[hbm4b:s4+s3] =	stream.indirect_vreg.scatter [tilespmem:s2], [sflag:$0x2], $0x80, v3, vm0, $0xb8;
	[tilespmem:$0x18180] =	vst v63  }
0x13d: {  	s20 =	simm.s32 $0x14180  }
0x13e: {  	[hbm4b:s7+s3] =	stream.indirect_vreg.scatter [tilespmem:s20], [sflag:$0x2], $0x80, v3, vm0, $0xb8;
	[tilespmem:$0x18180] =	vst v63  }
0x13f: {  	s2 =	simm.s32 $0x14980  }
0x140: {  	[hbm4b:s8+s3] =	stream.indirect_vreg.scatter [tilespmem:s2], [sflag:$0x2], $0x80, v3, vm0, $0xb8;
	[tilespmem:$0x18180] =	vst v63  }
0x141: {  	v3 =	vld [tilespmem:$0x70];
	_ =	sdelay $0x4  }
0x142: {  	v63 =	vshrl.u32 v3, $0x3  }
0x143: {  	v4 =	vmul.u32 $0x30, v63  }
0x144: {  	v3 =	vand.u32 $0x7, v3  }
0x145: {  	v3 =	vor.u32 v3, v4  }
0x146: {  	v4 =	vperm.xlane v3, v0;
	_ =	sdelay $0x1  }
0x147: {  	v4 =	vadd.s32 v1, v4;
	_ =	sdelay $0x3  }
0x148: {  	s20 =	simm.s32 $0x15180;
	v3 =	vperm.xlane v3, v2  }
0x149: {  	[hbm4b:s4+s3] =	stream.indirect_vreg.scatter [tilespmem:s20], [sflag:$0x2], $0x80, v4, vm0, $0xb8;
	[tilespmem:$0x18180] =	vst v63  }
0x14a: {  	s2 =	simm.s32 $0x15980;
	v3 =	vadd.s32 v1, v3  }
0x14b: {  	[hbm4b:s7+s3] =	stream.indirect_vreg.scatter [tilespmem:s2], [sflag:$0x2], $0x80, v4, vm0, $0xb8;
	[tilespmem:$0x18180] =	vst v63  }
0x14c: {  	s20 =	simm.s32 $0x16180  }
0x14d: {  	[hbm4b:s8+s3] =	stream.indirect_vreg.scatter [tilespmem:s20], [sflag:$0x2], $0x80, v4, vm0, $0xb8;
	[tilespmem:$0x18180] =	vst v63  }
0x14e: {  	s2 =	simm.s32 $0x16980  }
0x14f: {  	[hbm4b:s4+s3] =	stream.indirect_vreg.scatter [tilespmem:s2], [sflag:$0x2], $0x80, v3, vm0, $0xb8;
	[tilespmem:$0x18180] =	vst v63  }
0x150: {  	s20 =	simm.s32 $0x17180  }
0x151: {  	[hbm4b:s7+s3] =	stream.indirect_vreg.scatter [tilespmem:s20], [sflag:$0x2], $0x80, v3, vm0, $0xb8;
	[tilespmem:$0x18180] =	vst v63  }
0x152: {  	s2 =	simm.s32 $0x17980  }
0x153: {  	[hbm4b:s8+s3] =	stream.indirect_vreg.scatter [tilespmem:s2], [sflag:$0x2], $0x80, v3, vm0, $0xb8;
	[tilespmem:$0x18180] =	vst v63  }
0x154: {  	s0 =	simm.s32 $0x80;
	s20 =	rddreg [dreg:$0x4];
	s2 =	simm.s32 $0x100  }
0x155: {  	[hbm4b:s20+s0] =	stream.indirect.scatter [tilespmem:s2], [sflag:$0x3], $0x1, s3, s0, $0xb8;
	[tilespmem:$0x18180] =	vst v63  }
0x156: {  	s2 =	simm.s32 $0x2  }
0x157: {  	p0 =	sne.s32 s9, $0x1;
	_ =	swait.ge [sflag:s2], $0x18000  }
.Ltmp0:
0x158: {  	[sflag:s2] =	ssyncset.done $0x0;
	(pc) =	sbr.rel @p0 .LBB2_1-.Ltmp0, $4  }
0x159: {  	s20 =	simm.s32 $0x3;
	[sflag:s2] =	ssyncadd.s32 $0xFFFE8000  }
0x15a: {  	_ =	swait.ge [sflag:s20], $0x80  }
0x15b: {  	[sflag:s20] =	ssyncset.done $0x0  }
0x15c: {  	s9 =	sadd.s32 $0xFFFFFFFF, s9;
	[sflag:s20] =	ssyncadd.s32 $0xFFFFFF80  }
0x15d: {  	_ =	sfence.sel $0x180000  }
0x15e: {  	[bflag:$0x0] =	sbarrier.arrive $0xFFFF  }
0x15f: {  	_ =	strace $0x90000047  }
0x160: {  	s0 =	stileid.u32;
	[bflag:$0x2] =	sbarrier.arrive $0xFFFF  }
0x161: {  	p0 =	sne.s32 s0, $0x0;
	s0 =	rddreg [dreg:$0x3]  }
0x162: {  	s0 =	sadd.s32 @!p0 $0x100000, s0  }
0x163: {  	[sflag:s0] =	ssyncadd.tile.s32 @!p0 $0x1;
	_ =	shalt  }
.Lfunc_end2:
_tile_overlayer_lowered:
.L_overlay_start_2:
0x164: {  	(tag) =	ssettag $0x2  }
0x165: {  	s0 =	rddreg [dreg:$0x0];
	s2 =	stileid.u32  }
0x166: {  	s1 =	rddreg [dreg:$0x1];
	p0 =	sne.s32 s2, $0x0  }
0x167: {  	s3 =	rddreg [dreg:$0x2];
	[bflag:$0x3] =	sbarrier.arrive $0xFFFF;
	s2 =	simm.s32 @!p0 $0x1C04  }
0x168: {  	[timem:s3], [sflag:s2] =	dma.local @!p0 [hbm:s0], s1  }
0x169: {  	s0 =	simm.s32 @!p0 $0x4  }
0x16a: {  	_ =	swait.ge @!p0 [sflag:s0], s1  }
0x16b: {  	s1 =	ssub.s32 @!p0 $0x0, s1;
	[sflag:s0] =	ssyncset.done @!p0 $0x0  }
0x16c: {  	[sflag:s0] =	ssyncadd.s32 @!p0 s1  }
0x16d: {  	[bflag:$0x3] =	sbarrier.arrive $0xFFFF  }
0x16e: {  	_ =	shalt  }

</sc_bundles>
